<compile_context>
chip_gen: v7x
topology: tpu7x:2x2x1
jax: 0.10.2.dev20260603
libtpu: 0.0.44.dev20260713+nightly
codegen_flags: <defaults>
</compile_context>

<pallas_src>
import functools

import jax
import jax.numpy as jnp
from jax import lax
from jax.experimental import pallas as pl
from jax.experimental.pallas import tpu as pltpu

BATCH = 4096
SEQ = 200
D_X = 64
D_P = 32
D_O = D_X + D_P
G = 4
SG = SEQ // G
XL = G * D_X
OL = G * D_O
PL_ = G * D_P
BB = 32
RV = BB * SG
NSTEP = BATCH // BB
K = 4
NSPLIT = 4
RS = RV // NSPLIT


def _body(x_hbm, pos_hbm, out_hbm, xbuf, obuf, ptile, pbuf, isem, osem, psem):
    pltpu.async_copy(pos_hbm, pbuf, psem).wait()
    p = pbuf[...]
    for rep in range(BB):
        ptile[rep * SG:(rep + 1) * SG, :] = p
    pt = ptile[...]

    def start_in(r, k):
        for j in range(NSPLIT):
            pltpu.async_copy(
                x_hbm.at[pl.ds(r * RV + j * RS, RS)],
                xbuf.at[k, pl.ds(j * RS, RS)], isem.at[k, j])

    def wait_in(k):
        for j in range(NSPLIT):
            pltpu.make_async_copy(
                x_hbm.at[pl.ds(0, RS)],
                xbuf.at[k, pl.ds(j * RS, RS)], isem.at[k, j]).wait()

    def start_out(r, k):
        for j in range(NSPLIT):
            pltpu.async_copy(
                obuf.at[k, pl.ds(j * RS, RS)],
                out_hbm.at[pl.ds(r * RV + j * RS, RS)], osem.at[k, j])

    def wait_out(k):
        for j in range(NSPLIT):
            pltpu.make_async_copy(
                obuf.at[k, pl.ds(j * RS, RS)],
                out_hbm.at[pl.ds(0, RS)], osem.at[k, j]).wait()

    for k in range(K):
        start_in(k, k)

    def step(r, _):
        k = lax.rem(r, K)
        wait_in(k)

        @pl.when(r >= K)
        def _():
            wait_out(k)

        xs = xbuf[k]
        pieces = []
        for g in range(G):
            pieces.append(xs[:, g * D_X:(g + 1) * D_X])
            pieces.append(pt[:, g * D_P:(g + 1) * D_P])
        obuf[k] = jnp.concatenate(pieces, axis=-1)
        start_out(r, k)

        @pl.when(r + K < NSTEP)
        def _():
            start_in(r + K, k)

        return 0

    lax.fori_loop(0, NSTEP, step, 0)
    for k in range(K):
        wait_out(k)


@functools.partial(jax.jit, donate_argnums=())
def kernel(x, pos_table):
    out2 = pl.pallas_call(
        _body,
        in_specs=[
            pl.BlockSpec(memory_space=pltpu.MemorySpace.HBM),
            pl.BlockSpec(memory_space=pltpu.MemorySpace.HBM),
        ],
        out_specs=pl.BlockSpec(memory_space=pltpu.MemorySpace.HBM),
        out_shape=jax.ShapeDtypeStruct((BATCH * SG, OL), jnp.float32),
        scratch_shapes=[
            pltpu.VMEM((K, RV, XL), jnp.float32),
            pltpu.VMEM((K, RV, OL), jnp.float32),
            pltpu.VMEM((RV, PL_), jnp.float32),
            pltpu.VMEM((SG, PL_), jnp.float32),
            pltpu.SemaphoreType.DMA((K, NSPLIT)),
            pltpu.SemaphoreType.DMA((K, NSPLIT)),
            pltpu.SemaphoreType.DMA,
        ],
    )(x.reshape(BATCH * SG, XL), pos_table.reshape(SG, PL_))
    return out2.reshape(BATCH, SEQ, D_O)

# --- scband reference (transcript-rebuilt; emitter-appended) ---
"""Pipeline reference for scband-cat-position-embedding-27771258536912 (READ-ONLY COPY).

The authoritative reference and input builder live on the scoring server;
editing this copy changes nothing except your own understanding.
"""

import jax, jax.numpy as jnp
import numpy as np

BATCH = 4096
SEQ = 200
D_FEAT = 64
EMBED_DIM = 32

def setup_inputs(seed: int = 0) -> dict:
    key = jax.random.key(seed)
    k1, k2 = jax.random.split(key)
    x = jax.random.normal(k1, (BATCH, SEQ, D_FEAT), dtype=jnp.float32)
    # learned positional embedding table, sized per build(): input_dim=seq_len, output_dim=embed_dim
    pos_table = jax.random.normal(k2, (SEQ, EMBED_DIM), dtype=jnp.float32) * 0.05
    return {"x": x, "pos_table": pos_table}

def reference(x, pos_table):
    # positions = range(seq_len); embedding lookup
    seq_len = x.shape[1]
    positions = jnp.arange(seq_len)
    pos = jnp.take(pos_table, positions, axis=0)  # (SEQ, EMBED_DIM)
    # expand_dims + tile over batch
    pos = jnp.broadcast_to(pos[None, :, :], (x.shape[0], seq_len, pos.shape[-1]))
    return jnp.concatenate([x, pos], axis=-1)

if __name__ == "__main__":
    import jax
    _d = setup_inputs()
    print(jax.jit(kernel)(*tuple(_d.values())))

</pallas_src>

<mosaic_0001>
module attributes {stable_mosaic.version = 14 : i64} {
  func.func @_body(%arg0: memref<204800x256xf32, #tpu.memory_space<hbm>>, %arg1: memref<50x128xf32, #tpu.memory_space<hbm>>, %arg2: memref<204800x384xf32, #tpu.memory_space<hbm>>, %arg3: memref<4x1600x256xf32, #tpu.memory_space<vmem>>, %arg4: memref<4x1600x384xf32, #tpu.memory_space<vmem>>, %arg5: memref<1600x128xf32, #tpu.memory_space<vmem>>, %arg6: memref<50x128xf32, #tpu.memory_space<vmem>>, %arg7: memref<4x4x!tpu.dma_semaphore, #tpu.memory_space<semaphore_mem>>, %arg8: memref<4x4x!tpu.dma_semaphore, #tpu.memory_space<semaphore_mem>>, %arg9: memref<!tpu.dma_semaphore, #tpu.memory_space<semaphore_mem>>) attributes {dimension_semantics = [], scalar_prefetch = 0 : i64, scratch_operands = 7 : i64, tpu.core_type = #tpu.core_type<tc>} {
    tpu.enqueue_dma source(%arg1 : memref<50x128xf32, #tpu.memory_space<hbm>>) target(%arg6 : memref<50x128xf32, #tpu.memory_space<vmem>>) target_semaphore(%arg9 : memref<!tpu.dma_semaphore, #tpu.memory_space<semaphore_mem>>)
    tpu.wait_dma2 semaphore(%arg9 : memref<!tpu.dma_semaphore, #tpu.memory_space<semaphore_mem>>) src(%arg1 : memref<50x128xf32, #tpu.memory_space<hbm>>) dst(%arg6 : memref<50x128xf32, #tpu.memory_space<vmem>>)
    %get3A = arith.constant 0 : index
    %get3A_0 = arith.constant 0 : index
    %get3A_1 = vector.load %arg6[%get3A, %get3A_0] : memref<50x128xf32, #tpu.memory_space<vmem>>, vector<50x128xf32>
    %swap3A = arith.constant 0 : index
    %swap3A_2 = arith.constant 0 : index
    %swap3A_3 = vector.load %arg5[%swap3A, %swap3A_2] : memref<1600x128xf32, #tpu.memory_space<vmem>>, vector<50x128xf32>
    tpu.vector_store %arg5[%swap3A, %swap3A_2], %get3A_1 {strides = array<i32>} : memref<1600x128xf32, #tpu.memory_space<vmem>>, vector<50x128xf32>,
    %swap3A_4 = arith.constant 50 : index
    %swap3A_5 = arith.constant 0 : index
    %swap3A_6 = vector.load %arg5[%swap3A_4, %swap3A_5] : memref<1600x128xf32, #tpu.memory_space<vmem>>, vector<50x128xf32>
    tpu.vector_store %arg5[%swap3A_4, %swap3A_5], %get3A_1 {strides = array<i32>} : memref<1600x128xf32, #tpu.memory_space<vmem>>, vector<50x128xf32>,
    %swap3A_7 = arith.constant 100 : index
    %swap3A_8 = arith.constant 0 : index
    %swap3A_9 = vector.load %arg5[%swap3A_7, %swap3A_8] : memref<1600x128xf32, #tpu.memory_space<vmem>>, vector<50x128xf32>
    tpu.vector_store %arg5[%swap3A_7, %swap3A_8], %get3A_1 {strides = array<i32>} : memref<1600x128xf32, #tpu.memory_space<vmem>>, vector<50x128xf32>,
    %swap3A_10 = arith.constant 150 : index
    %swap3A_11 = arith.constant 0 : index
    %swap3A_12 = vector.load %arg5[%swap3A_10, %swap3A_11] : memref<1600x128xf32, #tpu.memory_space<vmem>>, vector<50x128xf32>
    tpu.vector_store %arg5[%swap3A_10, %swap3A_11], %get3A_1 {strides = array<i32>} : memref<1600x128xf32, #tpu.memory_space<vmem>>, vector<50x128xf32>,
    %swap3A_13 = arith.constant 200 : index
    %swap3A_14 = arith.constant 0 : index
    %swap3A_15 = vector.load %arg5[%swap3A_13, %swap3A_14] : memref<1600x128xf32, #tpu.memory_space<vmem>>, vector<50x128xf32>
    tpu.vector_store %arg5[%swap3A_13, %swap3A_14], %get3A_1 {strides = array<i32>} : memref<1600x128xf32, #tpu.memory_space<vmem>>, vector<50x128xf32>,
    %swap3A_16 = arith.constant 250 : index
    %swap3A_17 = arith.constant 0 : index
    %swap3A_18 = vector.load %arg5[%swap3A_16, %swap3A_17] : memref<1600x128xf32, #tpu.memory_space<vmem>>, vector<50x128xf32>
    tpu.vector_store %arg5[%swap3A_16, %swap3A_17], %get3A_1 {strides = array<i32>} : memref<1600x128xf32, #tpu.memory_space<vmem>>, vector<50x128xf32>,
    %swap3A_19 = arith.constant 300 : index
    %swap3A_20 = arith.constant 0 : index
    %swap3A_21 = vector.load %arg5[%swap3A_19, %swap3A_20] : memref<1600x128xf32, #tpu.memory_space<vmem>>, vector<50x128xf32>
    tpu.vector_store %arg5[%swap3A_19, %swap3A_20], %get3A_1 {strides = array<i32>} : memref<1600x128xf32, #tpu.memory_space<vmem>>, vector<50x128xf32>,
    %swap3A_22 = arith.constant 350 : index
    %swap3A_23 = arith.constant 0 : index
    %swap3A_24 = vector.load %arg5[%swap3A_22, %swap3A_23] : memref<1600x128xf32, #tpu.memory_space<vmem>>, vector<50x128xf32>
    tpu.vector_store %arg5[%swap3A_22, %swap3A_23], %get3A_1 {strides = array<i32>} : memref<1600x128xf32, #tpu.memory_space<vmem>>, vector<50x128xf32>,
    %swap3A_25 = arith.constant 400 : index
    %swap3A_26 = arith.constant 0 : index
    %swap3A_27 = vector.load %arg5[%swap3A_25, %swap3A_26] : memref<1600x128xf32, #tpu.memory_space<vmem>>, vector<50x128xf32>
    tpu.vector_store %arg5[%swap3A_25, %swap3A_26], %get3A_1 {strides = array<i32>} : memref<1600x128xf32, #tpu.memory_space<vmem>>, vector<50x128xf32>,
    %swap3A_28 = arith.constant 450 : index
    %swap3A_29 = arith.constant 0 : index
    %swap3A_30 = vector.load %arg5[%swap3A_28, %swap3A_29] : memref<1600x128xf32, #tpu.memory_space<vmem>>, vector<50x128xf32>
    tpu.vector_store %arg5[%swap3A_28, %swap3A_29], %get3A_1 {strides = array<i32>} : memref<1600x128xf32, #tpu.memory_space<vmem>>, vector<50x128xf32>,
    %swap3A_31 = arith.constant 500 : index
    %swap3A_32 = arith.constant 0 : index
    %swap3A_33 = vector.load %arg5[%swap3A_31, %swap3A_32] : memref<1600x128xf32, #tpu.memory_space<vmem>>, vector<50x128xf32>
    tpu.vector_store %arg5[%swap3A_31, %swap3A_32], %get3A_1 {strides = array<i32>} : memref<1600x128xf32, #tpu.memory_space<vmem>>, vector<50x128xf32>,
    %swap3A_34 = arith.constant 550 : index
    %swap3A_35 = arith.constant 0 : index
    %swap3A_36 = vector.load %arg5[%swap3A_34, %swap3A_35] : memref<1600x128xf32, #tpu.memory_space<vmem>>, vector<50x128xf32>
    tpu.vector_store %arg5[%swap3A_34, %swap3A_35], %get3A_1 {strides = array<i32>} : memref<1600x128xf32, #tpu.memory_space<vmem>>, vector<50x128xf32>,
    %swap3A_37 = arith.constant 600 : index
    %swap3A_38 = arith.constant 0 : index
    %swap3A_39 = vector.load %arg5[%swap3A_37, %swap3A_38] : memref<1600x128xf32, #tpu.memory_space<vmem>>, vector<50x128xf32>
    tpu.vector_store %arg5[%swap3A_37, %swap3A_38], %get3A_1 {strides = array<i32>} : memref<1600x128xf32, #tpu.memory_space<vmem>>, vector<50x128xf32>,
    %swap3A_40 = arith.constant 650 : index
    %swap3A_41 = arith.constant 0 : index
    %swap3A_42 = vector.load %arg5[%swap3A_40, %swap3A_41] : memref<1600x128xf32, #tpu.memory_space<vmem>>, vector<50x128xf32>
    tpu.vector_store %arg5[%swap3A_40, %swap3A_41], %get3A_1 {strides = array<i32>} : memref<1600x128xf32, #tpu.memory_space<vmem>>, vector<50x128xf32>,
    %swap3A_43 = arith.constant 700 : index
    %swap3A_44 = arith.constant 0 : index
    %swap3A_45 = vector.load %arg5[%swap3A_43, %swap3A_44] : memref<1600x128xf32, #tpu.memory_space<vmem>>, vector<50x128xf32>
    tpu.vector_store %arg5[%swap3A_43, %swap3A_44], %get3A_1 {strides = array<i32>} : memref<1600x128xf32, #tpu.memory_space<vmem>>, vector<50x128xf32>,
    %swap3A_46 = arith.constant 750 : index
    %swap3A_47 = arith.constant 0 : index
    %swap3A_48 = vector.load %arg5[%swap3A_46, %swap3A_47] : memref<1600x128xf32, #tpu.memory_space<vmem>>, vector<50x128xf32>
    tpu.vector_store %arg5[%swap3A_46, %swap3A_47], %get3A_1 {strides = array<i32>} : memref<1600x128xf32, #tpu.memory_space<vmem>>, vector<50x128xf32>,
    %swap3A_49 = arith.constant 800 : index
    %swap3A_50 = arith.constant 0 : index
    %swap3A_51 = vector.load %arg5[%swap3A_49, %swap3A_50] : memref<1600x128xf32, #tpu.memory_space<vmem>>, vector<50x128xf32>
    tpu.vector_store %arg5[%swap3A_49, %swap3A_50], %get3A_1 {strides = array<i32>} : memref<1600x128xf32, #tpu.memory_space<vmem>>, vector<50x128xf32>,
    %swap3A_52 = arith.constant 850 : index
    %swap3A_53 = arith.constant 0 : index
    %swap3A_54 = vector.load %arg5[%swap3A_52, %swap3A_53] : memref<1600x128xf32, #tpu.memory_space<vmem>>, vector<50x128xf32>
    tpu.vector_store %arg5[%swap3A_52, %swap3A_53], %get3A_1 {strides = array<i32>} : memref<1600x128xf32, #tpu.memory_space<vmem>>, vector<50x128xf32>,
    %swap3A_55 = arith.constant 900 : index
    %swap3A_56 = arith.constant 0 : index
    %swap3A_57 = vector.load %arg5[%swap3A_55, %swap3A_56] : memref<1600x128xf32, #tpu.memory_space<vmem>>, vector<50x128xf32>
    tpu.vector_store %arg5[%swap3A_55, %swap3A_56], %get3A_1 {strides = array<i32>} : memref<1600x128xf32, #tpu.memory_space<vmem>>, vector<50x128xf32>,
    %swap3A_58 = arith.constant 950 : index
    %swap3A_59 = arith.constant 0 : index
    %swap3A_60 = vector.load %arg5[%swap3A_58, %swap3A_59] : memref<1600x128xf32, #tpu.memory_space<vmem>>, vector<50x128xf32>
    tpu.vector_store %arg5[%swap3A_58, %swap3A_59], %get3A_1 {strides = array<i32>} : memref<1600x128xf32, #tpu.memory_space<vmem>>, vector<50x128xf32>,
    %swap3A_61 = arith.constant 1000 : index
    %swap3A_62 = arith.constant 0 : index
    %swap3A_63 = vector.load %arg5[%swap3A_61, %swap3A_62] : memref<1600x128xf32, #tpu.memory_space<vmem>>, vector<50x128xf32>
    tpu.vector_store %arg5[%swap3A_61, %swap3A_62], %get3A_1 {strides = array<i32>} : memref<1600x128xf32, #tpu.memory_space<vmem>>, vector<50x128xf32>,
    %swap3A_64 = arith.constant 1050 : index
    %swap3A_65 = arith.constant 0 : index
    %swap3A_66 = vector.load %arg5[%swap3A_64, %swap3A_65] : memref<1600x128xf32, #tpu.memory_space<vmem>>, vector<50x128xf32>
    tpu.vector_store %arg5[%swap3A_64, %swap3A_65], %get3A_1 {strides = array<i32>} : memref<1600x128xf32, #tpu.memory_space<vmem>>, vector<50x128xf32>,
    %swap3A_67 = arith.constant 1100 : index
    %swap3A_68 = arith.constant 0 : index
    %swap3A_69 = vector.load %arg5[%swap3A_67, %swap3A_68] : memref<1600x128xf32, #tpu.memory_space<vmem>>, vector<50x128xf32>
    tpu.vector_store %arg5[%swap3A_67, %swap3A_68], %get3A_1 {strides = array<i32>} : memref<1600x128xf32, #tpu.memory_space<vmem>>, vector<50x128xf32>,
    %swap3A_70 = arith.constant 1150 : index
    %swap3A_71 = arith.constant 0 : index
    %swap3A_72 = vector.load %arg5[%swap3A_70, %swap3A_71] : memref<1600x128xf32, #tpu.memory_space<vmem>>, vector<50x128xf32>
    tpu.vector_store %arg5[%swap3A_70, %swap3A_71], %get3A_1 {strides = array<i32>} : memref<1600x128xf32, #tpu.memory_space<vmem>>, vector<50x128xf32>,
    %swap3A_73 = arith.constant 1200 : index
    %swap3A_74 = arith.constant 0 : index
    %swap3A_75 = vector.load %arg5[%swap3A_73, %swap3A_74] : memref<1600x128xf32, #tpu.memory_space<vmem>>, vector<50x128xf32>
    tpu.vector_store %arg5[%swap3A_73, %swap3A_74], %get3A_1 {strides = array<i32>} : memref<1600x128xf32, #tpu.memory_space<vmem>>, vector<50x128xf32>,
    %swap3A_76 = arith.constant 1250 : index
    %swap3A_77 = arith.constant 0 : index
    %swap3A_78 = vector.load %arg5[%swap3A_76, %swap3A_77] : memref<1600x128xf32, #tpu.memory_space<vmem>>, vector<50x128xf32>
    tpu.vector_store %arg5[%swap3A_76, %swap3A_77], %get3A_1 {strides = array<i32>} : memref<1600x128xf32, #tpu.memory_space<vmem>>, vector<50x128xf32>,
    %swap3A_79 = arith.constant 1300 : index
    %swap3A_80 = arith.constant 0 : index
    %swap3A_81 = vector.load %arg5[%swap3A_79, %swap3A_80] : memref<1600x128xf32, #tpu.memory_space<vmem>>, vector<50x128xf32>
    tpu.vector_store %arg5[%swap3A_79, %swap3A_80], %get3A_1 {strides = array<i32>} : memref<1600x128xf32, #tpu.memory_space<vmem>>, vector<50x128xf32>,
    %swap3A_82 = arith.constant 1350 : index
    %swap3A_83 = arith.constant 0 : index
    %swap3A_84 = vector.load %arg5[%swap3A_82, %swap3A_83] : memref<1600x128xf32, #tpu.memory_space<vmem>>, vector<50x128xf32>
    tpu.vector_store %arg5[%swap3A_82, %swap3A_83], %get3A_1 {strides = array<i32>} : memref<1600x128xf32, #tpu.memory_space<vmem>>, vector<50x128xf32>,
    %swap3A_85 = arith.constant 1400 : index
    %swap3A_86 = arith.constant 0 : index
    %swap3A_87 = vector.load %arg5[%swap3A_85, %swap3A_86] : memref<1600x128xf32, #tpu.memory_space<vmem>>, vector<50x128xf32>
    tpu.vector_store %arg5[%swap3A_85, %swap3A_86], %get3A_1 {strides = array<i32>} : memref<1600x128xf32, #tpu.memory_space<vmem>>, vector<50x128xf32>,
    %swap3A_88 = arith.constant 1450 : index
    %swap3A_89 = arith.constant 0 : index
    %swap3A_90 = vector.load %arg5[%swap3A_88, %swap3A_89] : memref<1600x128xf32, #tpu.memory_space<vmem>>, vector<50x128xf32>
    tpu.vector_store %arg5[%swap3A_88, %swap3A_89], %get3A_1 {strides = array<i32>} : memref<1600x128xf32, #tpu.memory_space<vmem>>, vector<50x128xf32>,
    %swap3A_91 = arith.constant 1500 : index
    %swap3A_92 = arith.constant 0 : index
    %swap3A_93 = vector.load %arg5[%swap3A_91, %swap3A_92] : memref<1600x128xf32, #tpu.memory_space<vmem>>, vector<50x128xf32>
    tpu.vector_store %arg5[%swap3A_91, %swap3A_92], %get3A_1 {strides = array<i32>} : memref<1600x128xf32, #tpu.memory_space<vmem>>, vector<50x128xf32>,
    %swap3A_94 = arith.constant 1550 : index
    %swap3A_95 = arith.constant 0 : index
    %swap3A_96 = vector.load %arg5[%swap3A_94, %swap3A_95] : memref<1600x128xf32, #tpu.memory_space<vmem>>, vector<50x128xf32>
    tpu.vector_store %arg5[%swap3A_94, %swap3A_95], %get3A_1 {strides = array<i32>} : memref<1600x128xf32, #tpu.memory_space<vmem>>, vector<50x128xf32>,
    %get3A_97 = arith.constant 0 : index
    %get3A_98 = arith.constant 0 : index
    %get3A_99 = vector.load %arg5[%get3A_97, %get3A_98] : memref<1600x128xf32, #tpu.memory_space<vmem>>, vector<1600x128xf32>
    %dma_start3A = arith.constant 0 : i32
    %dma_start3A_100 = arith.constant 0 : i32
    %dma_start3A_101 = arith.constant 0 : i32
    %dma_start3A_102 = tpu.memref_slice %arg7[%dma_start3A_100, %dma_start3A_101] : memref<4x4x!tpu.dma_semaphore, #tpu.memory_space<semaphore_mem>> -> memref<1x1x!tpu.dma_semaphore, #tpu.memory_space<semaphore_mem>>
    %dma_start3A_103 = tpu.memref_squeeze %dma_start3A_102 : memref<1x1x!tpu.dma_semaphore, #tpu.memory_space<semaphore_mem>> -> memref<!tpu.dma_semaphore, #tpu.memory_space<semaphore_mem>>
    %dma_start3A_104 = arith.constant 0 : i32
    %dma_start3A_105 = arith.constant 0 : i32
    %dma_start3A_106 = tpu.memref_slice %arg3[%dma_start3A, %dma_start3A_104, %dma_start3A_105] : memref<4x1600x256xf32, #tpu.memory_space<vmem>> -> memref<1x400x256xf32, #tpu.memory_space<vmem>>
    %dma_start3A_107 = tpu.memref_squeeze %dma_start3A_106 : memref<1x400x256xf32, #tpu.memory_space<vmem>> -> memref<400x256xf32, #tpu.memory_space<vmem>>
    %dma_start3A_108 = arith.constant 0 : i32
    %dma_start3A_109 = arith.constant 0 : i32
    %dma_start3A_110 = tpu.memref_slice %arg0[%dma_start3A_108, %dma_start3A_109] : memref<204800x256xf32, #tpu.memory_space<hbm>> -> memref<400x256xf32, #tpu.memory_space<hbm>>
    tpu.enqueue_dma source(%dma_start3A_110 : memref<400x256xf32, #tpu.memory_space<hbm>>) target(%dma_start3A_107 : memref<400x256xf32, #tpu.memory_space<vmem>>) target_semaphore(%dma_start3A_103 : memref<!tpu.dma_semaphore, #tpu.memory_space<semaphore_mem>>)
    %dma_start3A_111 = arith.constant 0 : i32
    %dma_start3A_112 = arith.constant 0 : i32
    %dma_start3A_113 = arith.constant 1 : i32
    %dma_start3A_114 = tpu.memref_slice %arg7[%dma_start3A_112, %dma_start3A_113] : memref<4x4x!tpu.dma_semaphore, #tpu.memory_space<semaphore_mem>> -> memref<1x1x!tpu.dma_semaphore, #tpu.memory_space<semaphore_mem>>
    %dma_start3A_115 = tpu.memref_squeeze %dma_start3A_114 : memref<1x1x!tpu.dma_semaphore, #tpu.memory_space<semaphore_mem>> -> memref<!tpu.dma_semaphore, #tpu.memory_space<semaphore_mem>>
    %dma_start3A_116 = arith.constant 400 : i32
    %dma_start3A_117 = arith.constant 0 : i32
    %dma_start3A_118 = tpu.memref_slice %arg3[%dma_start3A_111, %dma_start3A_116, %dma_start3A_117] : memref<4x1600x256xf32, #tpu.memory_space<vmem>> -> memref<1x400x256xf32, #tpu.memory_space<vmem>>
    %dma_start3A_119 = tpu.memref_squeeze %dma_start3A_118 : memref<1x400x256xf32, #tpu.memory_space<vmem>> -> memref<400x256xf32, #tpu.memory_space<vmem>>
    %dma_start3A_120 = arith.constant 400 : i32
    %dma_start3A_121 = arith.constant 0 : i32
    %dma_start3A_122 = tpu.memref_slice %arg0[%dma_start3A_120, %dma_start3A_121] : memref<204800x256xf32, #tpu.memory_space<hbm>> -> memref<400x256xf32, #tpu.memory_space<hbm>>
    tpu.enqueue_dma source(%dma_start3A_122 : memref<400x256xf32, #tpu.memory_space<hbm>>) target(%dma_start3A_119 : memref<400x256xf32, #tpu.memory_space<vmem>>) target_semaphore(%dma_start3A_115 : memref<!tpu.dma_semaphore, #tpu.memory_space<semaphore_mem>>)
    %dma_start3A_123 = arith.constant 0 : i32
    %dma_start3A_124 = arith.constant 0 : i32
    %dma_start3A_125 = arith.constant 2 : i32
    %dma_start3A_126 = tpu.memref_slice %arg7[%dma_start3A_124, %dma_start3A_125] : memref<4x4x!tpu.dma_semaphore, #tpu.memory_space<semaphore_mem>> -> memref<1x1x!tpu.dma_semaphore, #tpu.memory_space<semaphore_mem>>
    %dma_start3A_127 = tpu.memref_squeeze %dma_start3A_126 : memref<1x1x!tpu.dma_semaphore, #tpu.memory_space<semaphore_mem>> -> memref<!tpu.dma_semaphore, #tpu.memory_space<semaphore_mem>>
    %dma_start3A_128 = arith.constant 800 : i32
    %dma_start3A_129 = arith.constant 0 : i32
    %dma_start3A_130 = tpu.memref_slice %arg3[%dma_start3A_123, %dma_start3A_128, %dma_start3A_129] : memref<4x1600x256xf32, #tpu.memory_space<vmem>> -> memref<1x400x256xf32, #tpu.memory_space<vmem>>
    %dma_start3A_131 = tpu.memref_squeeze %dma_start3A_130 : memref<1x400x256xf32, #tpu.memory_space<vmem>> -> memref<400x256xf32, #tpu.memory_space<vmem>>
    %dma_start3A_132 = arith.constant 800 : i32
    %dma_start3A_133 = arith.constant 0 : i32
    %dma_start3A_134 = tpu.memref_slice %arg0[%dma_start3A_132, %dma_start3A_133] : memref<204800x256xf32, #tpu.memory_space<hbm>> -> memref<400x256xf32, #tpu.memory_space<hbm>>
    tpu.enqueue_dma source(%dma_start3A_134 : memref<400x256xf32, #tpu.memory_space<hbm>>) target(%dma_start3A_131 : memref<400x256xf32, #tpu.memory_space<vmem>>) target_semaphore(%dma_start3A_127 : memref<!tpu.dma_semaphore, #tpu.memory_space<semaphore_mem>>)
    %dma_start3A_135 = arith.constant 0 : i32
    %dma_start3A_136 = arith.constant 0 : i32
    %dma_start3A_137 = arith.constant 3 : i32
    %dma_start3A_138 = tpu.memref_slice %arg7[%dma_start3A_136, %dma_start3A_137] : memref<4x4x!tpu.dma_semaphore, #tpu.memory_space<semaphore_mem>> -> memref<1x1x!tpu.dma_semaphore, #tpu.memory_space<semaphore_mem>>
    %dma_start3A_139 = tpu.memref_squeeze %dma_start3A_138 : memref<1x1x!tpu.dma_semaphore, #tpu.memory_space<semaphore_mem>> -> memref<!tpu.dma_semaphore, #tpu.memory_space<semaphore_mem>>
    %dma_start3A_140 = arith.constant 1200 : i32
    %dma_start3A_141 = arith.constant 0 : i32
    %dma_start3A_142 = tpu.memref_slice %arg3[%dma_start3A_135, %dma_start3A_140, %dma_start3A_141] : memref<4x1600x256xf32, #tpu.memory_space<vmem>> -> memref<1x400x256xf32, #tpu.memory_space<vmem>>
    %dma_start3A_143 = tpu.memref_squeeze %dma_start3A_142 : memref<1x400x256xf32, #tpu.memory_space<vmem>> -> memref<400x256xf32, #tpu.memory_space<vmem>>
    %dma_start3A_144 = arith.constant 1200 : i32
    %dma_start3A_145 = arith.constant 0 : i32
    %dma_start3A_146 = tpu.memref_slice %arg0[%dma_start3A_144, %dma_start3A_145] : memref<204800x256xf32, #tpu.memory_space<hbm>> -> memref<400x256xf32, #tpu.memory_space<hbm>>
    tpu.enqueue_dma source(%dma_start3A_146 : memref<400x256xf32, #tpu.memory_space<hbm>>) target(%dma_start3A_143 : memref<400x256xf32, #tpu.memory_space<vmem>>) target_semaphore(%dma_start3A_139 : memref<!tpu.dma_semaphore, #tpu.memory_space<semaphore_mem>>)
    %dma_start3A_147 = arith.constant 1 : i32
    %dma_start3A_148 = arith.constant 1 : i32
    %dma_start3A_149 = arith.constant 0 : i32
    %dma_start3A_150 = tpu.memref_slice %arg7[%dma_start3A_148, %dma_start3A_149] : memref<4x4x!tpu.dma_semaphore, #tpu.memory_space<semaphore_mem>> -> memref<1x1x!tpu.dma_semaphore, #tpu.memory_space<semaphore_mem>>
    %dma_start3A_151 = tpu.memref_squeeze %dma_start3A_150 : memref<1x1x!tpu.dma_semaphore, #tpu.memory_space<semaphore_mem>> -> memref<!tpu.dma_semaphore, #tpu.memory_space<semaphore_mem>>
    %dma_start3A_152 = arith.constant 0 : i32
    %dma_start3A_153 = arith.constant 0 : i32
    %dma_start3A_154 = tpu.memref_slice %arg3[%dma_start3A_147, %dma_start3A_152, %dma_start3A_153] : memref<4x1600x256xf32, #tpu.memory_space<vmem>> -> memref<1x400x256xf32, #tpu.memory_space<vmem>>
    %dma_start3A_155 = tpu.memref_squeeze %dma_start3A_154 : memref<1x400x256xf32, #tpu.memory_space<vmem>> -> memref<400x256xf32, #tpu.memory_space<vmem>>
    %dma_start3A_156 = arith.constant 1600 : i32
    %dma_start3A_157 = arith.constant 0 : i32
    %dma_start3A_158 = tpu.memref_slice %arg0[%dma_start3A_156, %dma_start3A_157] : memref<204800x256xf32, #tpu.memory_space<hbm>> -> memref<400x256xf32, #tpu.memory_space<hbm>>
    tpu.enqueue_dma source(%dma_start3A_158 : memref<400x256xf32, #tpu.memory_space<hbm>>) target(%dma_start3A_155 : memref<400x256xf32, #tpu.memory_space<vmem>>) target_semaphore(%dma_start3A_151 : memref<!tpu.dma_semaphore, #tpu.memory_space<semaphore_mem>>)
    %dma_start3A_159 = arith.constant 1 : i32
    %dma_start3A_160 = arith.constant 1 : i32
    %dma_start3A_161 = arith.constant 1 : i32
    %dma_start3A_162 = tpu.memref_slice %arg7[%dma_start3A_160, %dma_start3A_161] : memref<4x4x!tpu.dma_semaphore, #tpu.memory_space<semaphore_mem>> -> memref<1x1x!tpu.dma_semaphore, #tpu.memory_space<semaphore_mem>>
    %dma_start3A_163 = tpu.memref_squeeze %dma_start3A_162 : memref<1x1x!tpu.dma_semaphore, #tpu.memory_space<semaphore_mem>> -> memref<!tpu.dma_semaphore, #tpu.memory_space<semaphore_mem>>
    %dma_start3A_164 = arith.constant 400 : i32
    %dma_start3A_165 = arith.constant 0 : i32
    %dma_start3A_166 = tpu.memref_slice %arg3[%dma_start3A_159, %dma_start3A_164, %dma_start3A_165] : memref<4x1600x256xf32, #tpu.memory_space<vmem>> -> memref<1x400x256xf32, #tpu.memory_space<vmem>>
    %dma_start3A_167 = tpu.memref_squeeze %dma_start3A_166 : memref<1x400x256xf32, #tpu.memory_space<vmem>> -> memref<400x256xf32, #tpu.memory_space<vmem>>
    %dma_start3A_168 = arith.constant 2000 : i32
    %dma_start3A_169 = arith.constant 0 : i32
    %dma_start3A_170 = tpu.memref_slice %arg0[%dma_start3A_168, %dma_start3A_169] : memref<204800x256xf32, #tpu.memory_space<hbm>> -> memref<400x256xf32, #tpu.memory_space<hbm>>
    tpu.enqueue_dma source(%dma_start3A_170 : memref<400x256xf32, #tpu.memory_space<hbm>>) target(%dma_start3A_167 : memref<400x256xf32, #tpu.memory_space<vmem>>) target_semaphore(%dma_start3A_163 : memref<!tpu.dma_semaphore, #tpu.memory_space<semaphore_mem>>)
    %dma_start3A_171 = arith.constant 1 : i32
    %dma_start3A_172 = arith.constant 1 : i32
    %dma_start3A_173 = arith.constant 2 : i32
    %dma_start3A_174 = tpu.memref_slice %arg7[%dma_start3A_172, %dma_start3A_173] : memref<4x4x!tpu.dma_semaphore, #tpu.memory_space<semaphore_mem>> -> memref<1x1x!tpu.dma_semaphore, #tpu.memory_space<semaphore_mem>>
    %dma_start3A_175 = tpu.memref_squeeze %dma_start3A_174 : memref<1x1x!tpu.dma_semaphore, #tpu.memory_space<semaphore_mem>> -> memref<!tpu.dma_semaphore, #tpu.memory_space<semaphore_mem>>
    %dma_start3A_176 = arith.constant 800 : i32
    %dma_start3A_177 = arith.constant 0 : i32
    %dma_start3A_178 = tpu.memref_slice %arg3[%dma_start3A_171, %dma_start3A_176, %dma_start3A_177] : memref<4x1600x256xf32, #tpu.memory_space<vmem>> -> memref<1x400x256xf32, #tpu.memory_space<vmem>>
    %dma_start3A_179 = tpu.memref_squeeze %dma_start3A_178 : memref<1x400x256xf32, #tpu.memory_space<vmem>> -> memref<400x256xf32, #tpu.memory_space<vmem>>
    %dma_start3A_180 = arith.constant 2400 : i32
    %dma_start3A_181 = arith.constant 0 : i32
    %dma_start3A_182 = tpu.memref_slice %arg0[%dma_start3A_180, %dma_start3A_181] : memref<204800x256xf32, #tpu.memory_space<hbm>> -> memref<400x256xf32, #tpu.memory_space<hbm>>
    tpu.enqueue_dma source(%dma_start3A_182 : memref<400x256xf32, #tpu.memory_space<hbm>>) target(%dma_start3A_179 : memref<400x256xf32, #tpu.memory_space<vmem>>) target_semaphore(%dma_start3A_175 : memref<!tpu.dma_semaphore, #tpu.memory_space<semaphore_mem>>)
    %dma_start3A_183 = arith.constant 1 : i32
    %dma_start3A_184 = arith.constant 1 : i32
    %dma_start3A_185 = arith.constant 3 : i32
    %dma_start3A_186 = tpu.memref_slice %arg7[%dma_start3A_184, %dma_start3A_185] : memref<4x4x!tpu.dma_semaphore, #tpu.memory_space<semaphore_mem>> -> memref<1x1x!tpu.dma_semaphore, #tpu.memory_space<semaphore_mem>>
    %dma_start3A_187 = tpu.memref_squeeze %dma_start3A_186 : memref<1x1x!tpu.dma_semaphore, #tpu.memory_space<semaphore_mem>> -> memref<!tpu.dma_semaphore, #tpu.memory_space<semaphore_mem>>
    %dma_start3A_188 = arith.constant 1200 : i32
    %dma_start3A_189 = arith.constant 0 : i32
    %dma_start3A_190 = tpu.memref_slice %arg3[%dma_start3A_183, %dma_start3A_188, %dma_start3A_189] : memref<4x1600x256xf32, #tpu.memory_space<vmem>> -> memref<1x400x256xf32, #tpu.memory_space<vmem>>
    %dma_start3A_191 = tpu.memref_squeeze %dma_start3A_190 : memref<1x400x256xf32, #tpu.memory_space<vmem>> -> memref<400x256xf32, #tpu.memory_space<vmem>>
    %dma_start3A_192 = arith.constant 2800 : i32
    %dma_start3A_193 = arith.constant 0 : i32
    %dma_start3A_194 = tpu.memref_slice %arg0[%dma_start3A_192, %dma_start3A_193] : memref<204800x256xf32, #tpu.memory_space<hbm>> -> memref<400x256xf32, #tpu.memory_space<hbm>>
    tpu.enqueue_dma source(%dma_start3A_194 : memref<400x256xf32, #tpu.memory_space<hbm>>) target(%dma_start3A_191 : memref<400x256xf32, #tpu.memory_space<vmem>>) target_semaphore(%dma_start3A_187 : memref<!tpu.dma_semaphore, #tpu.memory_space<semaphore_mem>>)
    %dma_start3A_195 = arith.constant 2 : i32
    %dma_start3A_196 = arith.constant 2 : i32
    %dma_start3A_197 = arith.constant 0 : i32
    %dma_start3A_198 = tpu.memref_slice %arg7[%dma_start3A_196, %dma_start3A_197] : memref<4x4x!tpu.dma_semaphore, #tpu.memory_space<semaphore_mem>> -> memref<1x1x!tpu.dma_semaphore, #tpu.memory_space<semaphore_mem>>
    %dma_start3A_199 = tpu.memref_squeeze %dma_start3A_198 : memref<1x1x!tpu.dma_semaphore, #tpu.memory_space<semaphore_mem>> -> memref<!tpu.dma_semaphore, #tpu.memory_space<semaphore_mem>>
    %dma_start3A_200 = arith.constant 0 : i32
    %dma_start3A_201 = arith.constant 0 : i32
    %dma_start3A_202 = tpu.memref_slice %arg3[%dma_start3A_195, %dma_start3A_200, %dma_start3A_201] : memref<4x1600x256xf32, #tpu.memory_space<vmem>> -> memref<1x400x256xf32, #tpu.memory_space<vmem>>
    %dma_start3A_203 = tpu.memref_squeeze %dma_start3A_202 : memref<1x400x256xf32, #tpu.memory_space<vmem>> -> memref<400x256xf32, #tpu.memory_space<vmem>>
    %dma_start3A_204 = arith.constant 3200 : i32
    %dma_start3A_205 = arith.constant 0 : i32
    %dma_start3A_206 = tpu.memref_slice %arg0[%dma_start3A_204, %dma_start3A_205] : memref<204800x256xf32, #tpu.memory_space<hbm>> -> memref<400x256xf32, #tpu.memory_space<hbm>>
    tpu.enqueue_dma source(%dma_start3A_206 : memref<400x256xf32, #tpu.memory_space<hbm>>) target(%dma_start3A_203 : memref<400x256xf32, #tpu.memory_space<vmem>>) target_semaphore(%dma_start3A_199 : memref<!tpu.dma_semaphore, #tpu.memory_space<semaphore_mem>>)
    %dma_start3A_207 = arith.constant 2 : i32
    %dma_start3A_208 = arith.constant 2 : i32
    %dma_start3A_209 = arith.constant 1 : i32
    %dma_start3A_210 = tpu.memref_slice %arg7[%dma_start3A_208, %dma_start3A_209] : memref<4x4x!tpu.dma_semaphore, #tpu.memory_space<semaphore_mem>> -> memref<1x1x!tpu.dma_semaphore, #tpu.memory_space<semaphore_mem>>
    %dma_start3A_211 = tpu.memref_squeeze %dma_start3A_210 : memref<1x1x!tpu.dma_semaphore, #tpu.memory_space<semaphore_mem>> -> memref<!tpu.dma_semaphore, #tpu.memory_space<semaphore_mem>>
    %dma_start3A_212 = arith.constant 400 : i32
    %dma_start3A_213 = arith.constant 0 : i32
    %dma_start3A_214 = tpu.memref_slice %arg3[%dma_start3A_207, %dma_start3A_212, %dma_start3A_213] : memref<4x1600x256xf32, #tpu.memory_space<vmem>> -> memref<1x400x256xf32, #tpu.memory_space<vmem>>
    %dma_start3A_215 = tpu.memref_squeeze %dma_start3A_214 : memref<1x400x256xf32, #tpu.memory_space<vmem>> -> memref<400x256xf32, #tpu.memory_space<vmem>>
    %dma_start3A_216 = arith.constant 3600 : i32
    %dma_start3A_217 = arith.constant 0 : i32
    %dma_start3A_218 = tpu.memref_slice %arg0[%dma_start3A_216, %dma_start3A_217] : memref<204800x256xf32, #tpu.memory_space<hbm>> -> memref<400x256xf32, #tpu.memory_space<hbm>>
    tpu.enqueue_dma source(%dma_start3A_218 : memref<400x256xf32, #tpu.memory_space<hbm>>) target(%dma_start3A_215 : memref<400x256xf32, #tpu.memory_space<vmem>>) target_semaphore(%dma_start3A_211 : memref<!tpu.dma_semaphore, #tpu.memory_space<semaphore_mem>>)
    %dma_start3A_219 = arith.constant 2 : i32
    %dma_start3A_220 = arith.constant 2 : i32
    %dma_start3A_221 = arith.constant 2 : i32
    %dma_start3A_222 = tpu.memref_slice %arg7[%dma_start3A_220, %dma_start3A_221] : memref<4x4x!tpu.dma_semaphore, #tpu.memory_space<semaphore_mem>> -> memref<1x1x!tpu.dma_semaphore, #tpu.memory_space<semaphore_mem>>
    %dma_start3A_223 = tpu.memref_squeeze %dma_start3A_222 : memref<1x1x!tpu.dma_semaphore, #tpu.memory_space<semaphore_mem>> -> memref<!tpu.dma_semaphore, #tpu.memory_space<semaphore_mem>>
    %dma_start3A_224 = arith.constant 800 : i32
    %dma_start3A_225 = arith.constant 0 : i32
    %dma_start3A_226 = tpu.memref_slice %arg3[%dma_start3A_219, %dma_start3A_224, %dma_start3A_225] : memref<4x1600x256xf32, #tpu.memory_space<vmem>> -> memref<1x400x256xf32, #tpu.memory_space<vmem>>
    %dma_start3A_227 = tpu.memref_squeeze %dma_start3A_226 : memref<1x400x256xf32, #tpu.memory_space<vmem>> -> memref<400x256xf32, #tpu.memory_space<vmem>>
    %dma_start3A_228 = arith.constant 4000 : i32
    %dma_start3A_229 = arith.constant 0 : i32
    %dma_start3A_230 = tpu.memref_slice %arg0[%dma_start3A_228, %dma_start3A_229] : memref<204800x256xf32, #tpu.memory_space<hbm>> -> memref<400x256xf32, #tpu.memory_space<hbm>>
    tpu.enqueue_dma source(%dma_start3A_230 : memref<400x256xf32, #tpu.memory_space<hbm>>) target(%dma_start3A_227 : memref<400x256xf32, #tpu.memory_space<vmem>>) target_semaphore(%dma_start3A_223 : memref<!tpu.dma_semaphore, #tpu.memory_space<semaphore_mem>>)
    %dma_start3A_231 = arith.constant 2 : i32
    %dma_start3A_232 = arith.constant 2 : i32
    %dma_start3A_233 = arith.constant 3 : i32
    %dma_start3A_234 = tpu.memref_slice %arg7[%dma_start3A_232, %dma_start3A_233] : memref<4x4x!tpu.dma_semaphore, #tpu.memory_space<semaphore_mem>> -> memref<1x1x!tpu.dma_semaphore, #tpu.memory_space<semaphore_mem>>
    %dma_start3A_235 = tpu.memref_squeeze %dma_start3A_234 : memref<1x1x!tpu.dma_semaphore, #tpu.memory_space<semaphore_mem>> -> memref<!tpu.dma_semaphore, #tpu.memory_space<semaphore_mem>>
    %dma_start3A_236 = arith.constant 1200 : i32
    %dma_start3A_237 = arith.constant 0 : i32
    %dma_start3A_238 = tpu.memref_slice %arg3[%dma_start3A_231, %dma_start3A_236, %dma_start3A_237] : memref<4x1600x256xf32, #tpu.memory_space<vmem>> -> memref<1x400x256xf32, #tpu.memory_space<vmem>>
    %dma_start3A_239 = tpu.memref_squeeze %dma_start3A_238 : memref<1x400x256xf32, #tpu.memory_space<vmem>> -> memref<400x256xf32, #tpu.memory_space<vmem>>
    %dma_start3A_240 = arith.constant 4400 : i32
    %dma_start3A_241 = arith.constant 0 : i32
    %dma_start3A_242 = tpu.memref_slice %arg0[%dma_start3A_240, %dma_start3A_241] : memref<204800x256xf32, #tpu.memory_space<hbm>> -> memref<400x256xf32, #tpu.memory_space<hbm>>
    tpu.enqueue_dma source(%dma_start3A_242 : memref<400x256xf32, #tpu.memory_space<hbm>>) target(%dma_start3A_239 : memref<400x256xf32, #tpu.memory_space<vmem>>) target_semaphore(%dma_start3A_235 : memref<!tpu.dma_semaphore, #tpu.memory_space<semaphore_mem>>)
    %dma_start3A_243 = arith.constant 3 : i32
    %dma_start3A_244 = arith.constant 3 : i32
    %dma_start3A_245 = arith.constant 0 : i32
    %dma_start3A_246 = tpu.memref_slice %arg7[%dma_start3A_244, %dma_start3A_245] : memref<4x4x!tpu.dma_semaphore, #tpu.memory_space<semaphore_mem>> -> memref<1x1x!tpu.dma_semaphore, #tpu.memory_space<semaphore_mem>>
    %dma_start3A_247 = tpu.memref_squeeze %dma_start3A_246 : memref<1x1x!tpu.dma_semaphore, #tpu.memory_space<semaphore_mem>> -> memref<!tpu.dma_semaphore, #tpu.memory_space<semaphore_mem>>
    %dma_start3A_248 = arith.constant 0 : i32
    %dma_start3A_249 = arith.constant 0 : i32
    %dma_start3A_250 = tpu.memref_slice %arg3[%dma_start3A_243, %dma_start3A_248, %dma_start3A_249] : memref<4x1600x256xf32, #tpu.memory_space<vmem>> -> memref<1x400x256xf32, #tpu.memory_space<vmem>>
    %dma_start3A_251 = tpu.memref_squeeze %dma_start3A_250 : memref<1x400x256xf32, #tpu.memory_space<vmem>> -> memref<400x256xf32, #tpu.memory_space<vmem>>
    %dma_start3A_252 = arith.constant 4800 : i32
    %dma_start3A_253 = arith.constant 0 : i32
    %dma_start3A_254 = tpu.memref_slice %arg0[%dma_start3A_252, %dma_start3A_253] : memref<204800x256xf32, #tpu.memory_space<hbm>> -> memref<400x256xf32, #tpu.memory_space<hbm>>
    tpu.enqueue_dma source(%dma_start3A_254 : memref<400x256xf32, #tpu.memory_space<hbm>>) target(%dma_start3A_251 : memref<400x256xf32, #tpu.memory_space<vmem>>) target_semaphore(%dma_start3A_247 : memref<!tpu.dma_semaphore, #tpu.memory_space<semaphore_mem>>)
    %dma_start3A_255 = arith.constant 3 : i32
    %dma_start3A_256 = arith.constant 3 : i32
    %dma_start3A_257 = arith.constant 1 : i32
    %dma_start3A_258 = tpu.memref_slice %arg7[%dma_start3A_256, %dma_start3A_257] : memref<4x4x!tpu.dma_semaphore, #tpu.memory_space<semaphore_mem>> -> memref<1x1x!tpu.dma_semaphore, #tpu.memory_space<semaphore_mem>>
    %dma_start3A_259 = tpu.memref_squeeze %dma_start3A_258 : memref<1x1x!tpu.dma_semaphore, #tpu.memory_space<semaphore_mem>> -> memref<!tpu.dma_semaphore, #tpu.memory_space<semaphore_mem>>
    %dma_start3A_260 = arith.constant 400 : i32
    %dma_start3A_261 = arith.constant 0 : i32
    %dma_start3A_262 = tpu.memref_slice %arg3[%dma_start3A_255, %dma_start3A_260, %dma_start3A_261] : memref<4x1600x256xf32, #tpu.memory_space<vmem>> -> memref<1x400x256xf32, #tpu.memory_space<vmem>>
    %dma_start3A_263 = tpu.memref_squeeze %dma_start3A_262 : memref<1x400x256xf32, #tpu.memory_space<vmem>> -> memref<400x256xf32, #tpu.memory_space<vmem>>
    %dma_start3A_264 = arith.constant 5200 : i32
    %dma_start3A_265 = arith.constant 0 : i32
    %dma_start3A_266 = tpu.memref_slice %arg0[%dma_start3A_264, %dma_start3A_265] : memref<204800x256xf32, #tpu.memory_space<hbm>> -> memref<400x256xf32, #tpu.memory_space<hbm>>
    tpu.enqueue_dma source(%dma_start3A_266 : memref<400x256xf32, #tpu.memory_space<hbm>>) target(%dma_start3A_263 : memref<400x256xf32, #tpu.memory_space<vmem>>) target_semaphore(%dma_start3A_259 : memref<!tpu.dma_semaphore, #tpu.memory_space<semaphore_mem>>)
    %dma_start3A_267 = arith.constant 3 : i32
    %dma_start3A_268 = arith.constant 3 : i32
    %dma_start3A_269 = arith.constant 2 : i32
    %dma_start3A_270 = tpu.memref_slice %arg7[%dma_start3A_268, %dma_start3A_269] : memref<4x4x!tpu.dma_semaphore, #tpu.memory_space<semaphore_mem>> -> memref<1x1x!tpu.dma_semaphore, #tpu.memory_space<semaphore_mem>>
    %dma_start3A_271 = tpu.memref_squeeze %dma_start3A_270 : memref<1x1x!tpu.dma_semaphore, #tpu.memory_space<semaphore_mem>> -> memref<!tpu.dma_semaphore, #tpu.memory_space<semaphore_mem>>
    %dma_start3A_272 = arith.constant 800 : i32
    %dma_start3A_273 = arith.constant 0 : i32
    %dma_start3A_274 = tpu.memref_slice %arg3[%dma_start3A_267, %dma_start3A_272, %dma_start3A_273] : memref<4x1600x256xf32, #tpu.memory_space<vmem>> -> memref<1x400x256xf32, #tpu.memory_space<vmem>>
    %dma_start3A_275 = tpu.memref_squeeze %dma_start3A_274 : memref<1x400x256xf32, #tpu.memory_space<vmem>> -> memref<400x256xf32, #tpu.memory_space<vmem>>
    %dma_start3A_276 = arith.constant 5600 : i32
    %dma_start3A_277 = arith.constant 0 : i32
    %dma_start3A_278 = tpu.memref_slice %arg0[%dma_start3A_276, %dma_start3A_277] : memref<204800x256xf32, #tpu.memory_space<hbm>> -> memref<400x256xf32, #tpu.memory_space<hbm>>
    tpu.enqueue_dma source(%dma_start3A_278 : memref<400x256xf32, #tpu.memory_space<hbm>>) target(%dma_start3A_275 : memref<400x256xf32, #tpu.memory_space<vmem>>) target_semaphore(%dma_start3A_271 : memref<!tpu.dma_semaphore, #tpu.memory_space<semaphore_mem>>)
    %dma_start3A_279 = arith.constant 3 : i32
    %dma_start3A_280 = arith.constant 3 : i32
    %dma_start3A_281 = arith.constant 3 : i32
    %dma_start3A_282 = tpu.memref_slice %arg7[%dma_start3A_280, %dma_start3A_281] : memref<4x4x!tpu.dma_semaphore, #tpu.memory_space<semaphore_mem>> -> memref<1x1x!tpu.dma_semaphore, #tpu.memory_space<semaphore_mem>>
    %dma_start3A_283 = tpu.memref_squeeze %dma_start3A_282 : memref<1x1x!tpu.dma_semaphore, #tpu.memory_space<semaphore_mem>> -> memref<!tpu.dma_semaphore, #tpu.memory_space<semaphore_mem>>
    %dma_start3A_284 = arith.constant 1200 : i32
    %dma_start3A_285 = arith.constant 0 : i32
    %dma_start3A_286 = tpu.memref_slice %arg3[%dma_start3A_279, %dma_start3A_284, %dma_start3A_285] : memref<4x1600x256xf32, #tpu.memory_space<vmem>> -> memref<1x400x256xf32, #tpu.memory_space<vmem>>
    %dma_start3A_287 = tpu.memref_squeeze %dma_start3A_286 : memref<1x400x256xf32, #tpu.memory_space<vmem>> -> memref<400x256xf32, #tpu.memory_space<vmem>>
    %dma_start3A_288 = arith.constant 6000 : i32
    %dma_start3A_289 = arith.constant 0 : i32
    %dma_start3A_290 = tpu.memref_slice %arg0[%dma_start3A_288, %dma_start3A_289] : memref<204800x256xf32, #tpu.memory_space<hbm>> -> memref<400x256xf32, #tpu.memory_space<hbm>>
    tpu.enqueue_dma source(%dma_start3A_290 : memref<400x256xf32, #tpu.memory_space<hbm>>) target(%dma_start3A_287 : memref<400x256xf32, #tpu.memory_space<vmem>>) target_semaphore(%dma_start3A_283 : memref<!tpu.dma_semaphore, #tpu.memory_space<semaphore_mem>>)
    %scan3A = arith.constant 0 : i32
    %scan3A_291 = arith.constant 128 : i32
    %scan3A_292 = arith.addi %scan3A, %scan3A_291 : i32
    %scan3A_293 = arith.constant 1 : i32
    scf.for %scan3A_486 = %scan3A to %scan3A_292 step %scan3A_293  : i32 {
      %rem3A = arith.constant 4 : i32
      %rem3A_487 = arith.remsi %scan3A_486, %rem3A : i32
      %dma_wait3A_488 = arith.constant 0 : i32
      %dma_wait3A_489 = tpu.memref_slice %arg7[%rem3A_487, %dma_wait3A_488] : memref<4x4x!tpu.dma_semaphore, #tpu.memory_space<semaphore_mem>> -> memref<1x1x!tpu.dma_semaphore, #tpu.memory_space<semaphore_mem>>
      %dma_wait3A_490 = tpu.memref_squeeze %dma_wait3A_489 : memref<1x1x!tpu.dma_semaphore, #tpu.memory_space<semaphore_mem>> -> memref<!tpu.dma_semaphore, #tpu.memory_space<semaphore_mem>>
      %dma_wait3A_491 = arith.constant 0 : i32
      %dma_wait3A_492 = arith.constant 0 : i32
      %dma_wait3A_493 = tpu.memref_slice %arg3[%rem3A_487, %dma_wait3A_491, %dma_wait3A_492] : memref<4x1600x256xf32, #tpu.memory_space<vmem>> -> memref<1x400x256xf32, #tpu.memory_space<vmem>>
      %dma_wait3A_494 = tpu.memref_squeeze %dma_wait3A_493 : memref<1x400x256xf32, #tpu.memory_space<vmem>> -> memref<400x256xf32, #tpu.memory_space<vmem>>
      %dma_wait3A_495 = arith.constant 0 : i32
      %dma_wait3A_496 = arith.constant 0 : i32
      %dma_wait3A_497 = tpu.memref_slice %arg0[%dma_wait3A_495, %dma_wait3A_496] : memref<204800x256xf32, #tpu.memory_space<hbm>> -> memref<400x256xf32, #tpu.memory_space<hbm>>
      tpu.wait_dma2 semaphore(%dma_wait3A_490 : memref<!tpu.dma_semaphore, #tpu.memory_space<semaphore_mem>>) src(%dma_wait3A_497 : memref<400x256xf32, #tpu.memory_space<hbm>>) dst(%dma_wait3A_494 : memref<400x256xf32, #tpu.memory_space<vmem>>)
      %dma_wait3A_498 = arith.constant 1 : i32
      %dma_wait3A_499 = tpu.memref_slice %arg7[%rem3A_487, %dma_wait3A_498] : memref<4x4x!tpu.dma_semaphore, #tpu.memory_space<semaphore_mem>> -> memref<1x1x!tpu.dma_semaphore, #tpu.memory_space<semaphore_mem>>
      %dma_wait3A_500 = tpu.memref_squeeze %dma_wait3A_499 : memref<1x1x!tpu.dma_semaphore, #tpu.memory_space<semaphore_mem>> -> memref<!tpu.dma_semaphore, #tpu.memory_space<semaphore_mem>>
      %dma_wait3A_501 = arith.constant 400 : i32
      %dma_wait3A_502 = arith.constant 0 : i32
      %dma_wait3A_503 = tpu.memref_slice %arg3[%rem3A_487, %dma_wait3A_501, %dma_wait3A_502] : memref<4x1600x256xf32, #tpu.memory_space<vmem>> -> memref<1x400x256xf32, #tpu.memory_space<vmem>>
      %dma_wait3A_504 = tpu.memref_squeeze %dma_wait3A_503 : memref<1x400x256xf32, #tpu.memory_space<vmem>> -> memref<400x256xf32, #tpu.memory_space<vmem>>
      %dma_wait3A_505 = arith.constant 0 : i32
      %dma_wait3A_506 = arith.constant 0 : i32
      %dma_wait3A_507 = tpu.memref_slice %arg0[%dma_wait3A_505, %dma_wait3A_506] : memref<204800x256xf32, #tpu.memory_space<hbm>> -> memref<400x256xf32, #tpu.memory_space<hbm>>
      tpu.wait_dma2 semaphore(%dma_wait3A_500 : memref<!tpu.dma_semaphore, #tpu.memory_space<semaphore_mem>>) src(%dma_wait3A_507 : memref<400x256xf32, #tpu.memory_space<hbm>>) dst(%dma_wait3A_504 : memref<400x256xf32, #tpu.memory_space<vmem>>)
      %dma_wait3A_508 = arith.constant 2 : i32
      %dma_wait3A_509 = tpu.memref_slice %arg7[%rem3A_487, %dma_wait3A_508] : memref<4x4x!tpu.dma_semaphore, #tpu.memory_space<semaphore_mem>> -> memref<1x1x!tpu.dma_semaphore, #tpu.memory_space<semaphore_mem>>
      %dma_wait3A_510 = tpu.memref_squeeze %dma_wait3A_509 : memref<1x1x!tpu.dma_semaphore, #tpu.memory_space<semaphore_mem>> -> memref<!tpu.dma_semaphore, #tpu.memory_space<semaphore_mem>>
      %dma_wait3A_511 = arith.constant 800 : i32
      %dma_wait3A_512 = arith.constant 0 : i32
      %dma_wait3A_513 = tpu.memref_slice %arg3[%rem3A_487, %dma_wait3A_511, %dma_wait3A_512] : memref<4x1600x256xf32, #tpu.memory_space<vmem>> -> memref<1x400x256xf32, #tpu.memory_space<vmem>>
      %dma_wait3A_514 = tpu.memref_squeeze %dma_wait3A_513 : memref<1x400x256xf32, #tpu.memory_space<vmem>> -> memref<400x256xf32, #tpu.memory_space<vmem>>
      %dma_wait3A_515 = arith.constant 0 : i32
      %dma_wait3A_516 = arith.constant 0 : i32
      %dma_wait3A_517 = tpu.memref_slice %arg0[%dma_wait3A_515, %dma_wait3A_516] : memref<204800x256xf32, #tpu.memory_space<hbm>> -> memref<400x256xf32, #tpu.memory_space<hbm>>
      tpu.wait_dma2 semaphore(%dma_wait3A_510 : memref<!tpu.dma_semaphore, #tpu.memory_space<semaphore_mem>>) src(%dma_wait3A_517 : memref<400x256xf32, #tpu.memory_space<hbm>>) dst(%dma_wait3A_514 : memref<400x256xf32, #tpu.memory_space<vmem>>)
      %dma_wait3A_518 = arith.constant 3 : i32
      %dma_wait3A_519 = tpu.memref_slice %arg7[%rem3A_487, %dma_wait3A_518] : memref<4x4x!tpu.dma_semaphore, #tpu.memory_space<semaphore_mem>> -> memref<1x1x!tpu.dma_semaphore, #tpu.memory_space<semaphore_mem>>
      %dma_wait3A_520 = tpu.memref_squeeze %dma_wait3A_519 : memref<1x1x!tpu.dma_semaphore, #tpu.memory_space<semaphore_mem>> -> memref<!tpu.dma_semaphore, #tpu.memory_space<semaphore_mem>>
      %dma_wait3A_521 = arith.constant 1200 : i32
      %dma_wait3A_522 = arith.constant 0 : i32
      %dma_wait3A_523 = tpu.memref_slice %arg3[%rem3A_487, %dma_wait3A_521, %dma_wait3A_522] : memref<4x1600x256xf32, #tpu.memory_space<vmem>> -> memref<1x400x256xf32, #tpu.memory_space<vmem>>
      %dma_wait3A_524 = tpu.memref_squeeze %dma_wait3A_523 : memref<1x400x256xf32, #tpu.memory_space<vmem>> -> memref<400x256xf32, #tpu.memory_space<vmem>>
      %dma_wait3A_525 = arith.constant 0 : i32
      %dma_wait3A_526 = arith.constant 0 : i32
      %dma_wait3A_527 = tpu.memref_slice %arg0[%dma_wait3A_525, %dma_wait3A_526] : memref<204800x256xf32, #tpu.memory_space<hbm>> -> memref<400x256xf32, #tpu.memory_space<hbm>>
      tpu.wait_dma2 semaphore(%dma_wait3A_520 : memref<!tpu.dma_semaphore, #tpu.memory_space<semaphore_mem>>) src(%dma_wait3A_527 : memref<400x256xf32, #tpu.memory_space<hbm>>) dst(%dma_wait3A_524 : memref<400x256xf32, #tpu.memory_space<vmem>>)
      %ge3A = arith.constant 4 : i32
      %ge3A_528 = arith.cmpi sge, %scan3A_486, %ge3A : i32
      %convert_element_type3A = arith.extui %ge3A_528 : i1 to i32
      %cond3A = arith.constant 0 : i32
      %cond3A_529 = arith.cmpi ne, %convert_element_type3A, %cond3A : i32
      scf.if %cond3A_529 {
        %dma_wait3A_604 = arith.constant 0 : i32
        %dma_wait3A_605 = tpu.memref_slice %arg8[%rem3A_487, %dma_wait3A_604] : memref<4x4x!tpu.dma_semaphore, #tpu.memory_space<semaphore_mem>> -> memref<1x1x!tpu.dma_semaphore, #tpu.memory_space<semaphore_mem>>
        %dma_wait3A_606 = tpu.memref_squeeze %dma_wait3A_605 : memref<1x1x!tpu.dma_semaphore, #tpu.memory_space<semaphore_mem>> -> memref<!tpu.dma_semaphore, #tpu.memory_space<semaphore_mem>>
        %dma_wait3A_607 = arith.constant 0 : i32
        %dma_wait3A_608 = arith.constant 0 : i32
        %dma_wait3A_609 = tpu.memref_slice %arg2[%dma_wait3A_607, %dma_wait3A_608] : memref<204800x384xf32, #tpu.memory_space<hbm>> -> memref<400x384xf32, #tpu.memory_space<hbm>>
        %dma_wait3A_610 = arith.constant 0 : i32
        %dma_wait3A_611 = arith.constant 0 : i32
        %dma_wait3A_612 = tpu.memref_slice %arg4[%rem3A_487, %dma_wait3A_610, %dma_wait3A_611] : memref<4x1600x384xf32, #tpu.memory_space<vmem>> -> memref<1x400x384xf32, #tpu.memory_space<vmem>>
        %dma_wait3A_613 = tpu.memref_squeeze %dma_wait3A_612 : memref<1x400x384xf32, #tpu.memory_space<vmem>> -> memref<400x384xf32, #tpu.memory_space<vmem>>
        tpu.wait_dma2 semaphore(%dma_wait3A_606 : memref<!tpu.dma_semaphore, #tpu.memory_space<semaphore_mem>>) src(%dma_wait3A_613 : memref<400x384xf32, #tpu.memory_space<vmem>>) dst(%dma_wait3A_609 : memref<400x384xf32, #tpu.memory_space<hbm>>)
        %dma_wait3A_614 = arith.constant 1 : i32
        %dma_wait3A_615 = tpu.memref_slice %arg8[%rem3A_487, %dma_wait3A_614] : memref<4x4x!tpu.dma_semaphore, #tpu.memory_space<semaphore_mem>> -> memref<1x1x!tpu.dma_semaphore, #tpu.memory_space<semaphore_mem>>
        %dma_wait3A_616 = tpu.memref_squeeze %dma_wait3A_615 : memref<1x1x!tpu.dma_semaphore, #tpu.memory_space<semaphore_mem>> -> memref<!tpu.dma_semaphore, #tpu.memory_space<semaphore_mem>>
        %dma_wait3A_617 = arith.constant 0 : i32
        %dma_wait3A_618 = arith.constant 0 : i32
        %dma_wait3A_619 = tpu.memref_slice %arg2[%dma_wait3A_617, %dma_wait3A_618] : memref<204800x384xf32, #tpu.memory_space<hbm>> -> memref<400x384xf32, #tpu.memory_space<hbm>>
        %dma_wait3A_620 = arith.constant 400 : i32
        %dma_wait3A_621 = arith.constant 0 : i32
        %dma_wait3A_622 = tpu.memref_slice %arg4[%rem3A_487, %dma_wait3A_620, %dma_wait3A_621] : memref<4x1600x384xf32, #tpu.memory_space<vmem>> -> memref<1x400x384xf32, #tpu.memory_space<vmem>>
        %dma_wait3A_623 = tpu.memref_squeeze %dma_wait3A_622 : memref<1x400x384xf32, #tpu.memory_space<vmem>> -> memref<400x384xf32, #tpu.memory_space<vmem>>
        tpu.wait_dma2 semaphore(%dma_wait3A_616 : memref<!tpu.dma_semaphore, #tpu.memory_space<semaphore_mem>>) src(%dma_wait3A_623 : memref<400x384xf32, #tpu.memory_space<vmem>>) dst(%dma_wait3A_619 : memref<400x384xf32, #tpu.memory_space<hbm>>)
        %dma_wait3A_624 = arith.constant 2 : i32
        %dma_wait3A_625 = tpu.memref_slice %arg8[%rem3A_487, %dma_wait3A_624] : memref<4x4x!tpu.dma_semaphore, #tpu.memory_space<semaphore_mem>> -> memref<1x1x!tpu.dma_semaphore, #tpu.memory_space<semaphore_mem>>
        %dma_wait3A_626 = tpu.memref_squeeze %dma_wait3A_625 : memref<1x1x!tpu.dma_semaphore, #tpu.memory_space<semaphore_mem>> -> memref<!tpu.dma_semaphore, #tpu.memory_space<semaphore_mem>>
        %dma_wait3A_627 = arith.constant 0 : i32
        %dma_wait3A_628 = arith.constant 0 : i32
        %dma_wait3A_629 = tpu.memref_slice %arg2[%dma_wait3A_627, %dma_wait3A_628] : memref<204800x384xf32, #tpu.memory_space<hbm>> -> memref<400x384xf32, #tpu.memory_space<hbm>>
        %dma_wait3A_630 = arith.constant 800 : i32
        %dma_wait3A_631 = arith.constant 0 : i32
        %dma_wait3A_632 = tpu.memref_slice %arg4[%rem3A_487, %dma_wait3A_630, %dma_wait3A_631] : memref<4x1600x384xf32, #tpu.memory_space<vmem>> -> memref<1x400x384xf32, #tpu.memory_space<vmem>>
        %dma_wait3A_633 = tpu.memref_squeeze %dma_wait3A_632 : memref<1x400x384xf32, #tpu.memory_space<vmem>> -> memref<400x384xf32, #tpu.memory_space<vmem>>
        tpu.wait_dma2 semaphore(%dma_wait3A_626 : memref<!tpu.dma_semaphore, #tpu.memory_space<semaphore_mem>>) src(%dma_wait3A_633 : memref<400x384xf32, #tpu.memory_space<vmem>>) dst(%dma_wait3A_629 : memref<400x384xf32, #tpu.memory_space<hbm>>)
        %dma_wait3A_634 = arith.constant 3 : i32
        %dma_wait3A_635 = tpu.memref_slice %arg8[%rem3A_487, %dma_wait3A_634] : memref<4x4x!tpu.dma_semaphore, #tpu.memory_space<semaphore_mem>> -> memref<1x1x!tpu.dma_semaphore, #tpu.memory_space<semaphore_mem>>
        %dma_wait3A_636 = tpu.memref_squeeze %dma_wait3A_635 : memref<1x1x!tpu.dma_semaphore, #tpu.memory_space<semaphore_mem>> -> memref<!tpu.dma_semaphore, #tpu.memory_space<semaphore_mem>>
        %dma_wait3A_637 = arith.constant 0 : i32
        %dma_wait3A_638 = arith.constant 0 : i32
        %dma_wait3A_639 = tpu.memref_slice %arg2[%dma_wait3A_637, %dma_wait3A_638] : memref<204800x384xf32, #tpu.memory_space<hbm>> -> memref<400x384xf32, #tpu.memory_space<hbm>>
        %dma_wait3A_640 = arith.constant 1200 : i32
        %dma_wait3A_641 = arith.constant 0 : i32
        %dma_wait3A_642 = tpu.memref_slice %arg4[%rem3A_487, %dma_wait3A_640, %dma_wait3A_641] : memref<4x1600x384xf32, #tpu.memory_space<vmem>> -> memref<1x400x384xf32, #tpu.memory_space<vmem>>
        %dma_wait3A_643 = tpu.memref_squeeze %dma_wait3A_642 : memref<1x400x384xf32, #tpu.memory_space<vmem>> -> memref<400x384xf32, #tpu.memory_space<vmem>>
        tpu.wait_dma2 semaphore(%dma_wait3A_636 : memref<!tpu.dma_semaphore, #tpu.memory_space<semaphore_mem>>) src(%dma_wait3A_643 : memref<400x384xf32, #tpu.memory_space<vmem>>) dst(%dma_wait3A_639 : memref<400x384xf32, #tpu.memory_space<hbm>>)
      } else {
      }
      %get3A_530 = arith.index_cast %rem3A_487 : i32 to index
      %get3A_531 = arith.constant 0 : index
      %get3A_532 = arith.constant 0 : index
      %get3A_533 = vector.load %arg3[%get3A_530, %get3A_531, %get3A_532] : memref<4x1600x256xf32, #tpu.memory_space<vmem>>, vector<1x1600x256xf32>
      %get3A_534 = vector.shape_cast %get3A_533 : vector<1x1600x256xf32> to vector<1600x256xf32>
      %slice3A = vector.extract_strided_slice %get3A_534 {offsets = [0, 0], sizes = [1600, 64], strides = [1, 1]} : vector<1600x256xf32> to vector<1600x64xf32>
      %slice3A_535 = vector.extract_strided_slice %get3A_99 {offsets = [0, 0], sizes = [1600, 32], strides = [1, 1]} : vector<1600x128xf32> to vector<1600x32xf32>
      %slice3A_536 = vector.extract_strided_slice %get3A_534 {offsets = [0, 64], sizes = [1600, 64], strides = [1, 1]} : vector<1600x256xf32> to vector<1600x64xf32>
      %slice3A_537 = vector.extract_strided_slice %get3A_99 {offsets = [0, 32], sizes = [1600, 32], strides = [1, 1]} : vector<1600x128xf32> to vector<1600x32xf32>
      %slice3A_538 = vector.extract_strided_slice %get3A_534 {offsets = [0, 128], sizes = [1600, 64], strides = [1, 1]} : vector<1600x256xf32> to vector<1600x64xf32>
      %slice3A_539 = vector.extract_strided_slice %get3A_99 {offsets = [0, 64], sizes = [1600, 32], strides = [1, 1]} : vector<1600x128xf32> to vector<1600x32xf32>
      %slice3A_540 = vector.extract_strided_slice %get3A_534 {offsets = [0, 192], sizes = [1600, 64], strides = [1, 1]} : vector<1600x256xf32> to vector<1600x64xf32>
      %slice3A_541 = vector.extract_strided_slice %get3A_99 {offsets = [0, 96], sizes = [1600, 32], strides = [1, 1]} : vector<1600x128xf32> to vector<1600x32xf32>
      %concatenate3A = tpu.concatenate %slice3A, %slice3A_535, %slice3A_536, %slice3A_537, %slice3A_538, %slice3A_539, %slice3A_540, %slice3A_541 in 1 : vector<1600x64xf32>, vector<1600x32xf32>, vector<1600x64xf32>, vector<1600x32xf32>, vector<1600x64xf32>, vector<1600x32xf32>, vector<1600x64xf32>, vector<1600x32xf32> -> vector<1600x384xf32>
      %swap3A_542 = arith.index_cast %rem3A_487 : i32 to index
      %swap3A_543 = arith.constant 0 : index
      %swap3A_544 = arith.constant 0 : index
      %swap3A_545 = vector.load %arg4[%swap3A_542, %swap3A_543, %swap3A_544] : memref<4x1600x384xf32, #tpu.memory_space<vmem>>, vector<1x1600x384xf32>
      %swap3A_546 = vector.shape_cast %swap3A_545 : vector<1x1600x384xf32> to vector<1600x384xf32>
      %swap3A_547 = vector.shape_cast %concatenate3A : vector<1600x384xf32> to vector<1x1600x384xf32>
      tpu.vector_store %arg4[%swap3A_542, %swap3A_543, %swap3A_544], %swap3A_547 {strides = array<i32>} : memref<4x1600x384xf32, #tpu.memory_space<vmem>>, vector<1x1600x384xf32>,
      %mul3A = arith.constant 1600 : i32
      %mul3A_548 = arith.muli %scan3A_486, %mul3A : i32
      %add3A = arith.constant 0 : i32
      %add3A_549 = arith.addi %mul3A_548, %add3A : i32
      %dma_start3A_550 = arith.constant 0 : i32
      %dma_start3A_551 = tpu.memref_slice %arg8[%rem3A_487, %dma_start3A_550] : memref<4x4x!tpu.dma_semaphore, #tpu.memory_space<semaphore_mem>> -> memref<1x1x!tpu.dma_semaphore, #tpu.memory_space<semaphore_mem>>
      %dma_start3A_552 = tpu.memref_squeeze %dma_start3A_551 : memref<1x1x!tpu.dma_semaphore, #tpu.memory_space<semaphore_mem>> -> memref<!tpu.dma_semaphore, #tpu.memory_space<semaphore_mem>>
      %dma_start3A_553 = arith.constant 0 : i32
      %dma_start3A_554 = tpu.memref_slice %arg2[%add3A_549, %dma_start3A_553] : memref<204800x384xf32, #tpu.memory_space<hbm>> -> memref<400x384xf32, #tpu.memory_space<hbm>>
      %dma_start3A_555 = arith.constant 0 : i32
      %dma_start3A_556 = arith.constant 0 : i32
      %dma_start3A_557 = tpu.memref_slice %arg4[%rem3A_487, %dma_start3A_555, %dma_start3A_556] : memref<4x1600x384xf32, #tpu.memory_space<vmem>> -> memref<1x400x384xf32, #tpu.memory_space<vmem>>
      %dma_start3A_558 = tpu.memref_squeeze %dma_start3A_557 : memref<1x400x384xf32, #tpu.memory_space<vmem>> -> memref<400x384xf32, #tpu.memory_space<vmem>>
      tpu.enqueue_dma source(%dma_start3A_558 : memref<400x384xf32, #tpu.memory_space<vmem>>) target(%dma_start3A_554 : memref<400x384xf32, #tpu.memory_space<hbm>>) target_semaphore(%dma_start3A_552 : memref<!tpu.dma_semaphore, #tpu.memory_space<semaphore_mem>>)
      %mul3A_559 = arith.constant 1600 : i32
      %mul3A_560 = arith.muli %scan3A_486, %mul3A_559 : i32
      %add3A_561 = arith.constant 400 : i32
      %add3A_562 = arith.addi %mul3A_560, %add3A_561 : i32
      %dma_start3A_563 = arith.constant 1 : i32
      %dma_start3A_564 = tpu.memref_slice %arg8[%rem3A_487, %dma_start3A_563] : memref<4x4x!tpu.dma_semaphore, #tpu.memory_space<semaphore_mem>> -> memref<1x1x!tpu.dma_semaphore, #tpu.memory_space<semaphore_mem>>
      %dma_start3A_565 = tpu.memref_squeeze %dma_start3A_564 : memref<1x1x!tpu.dma_semaphore, #tpu.memory_space<semaphore_mem>> -> memref<!tpu.dma_semaphore, #tpu.memory_space<semaphore_mem>>
      %dma_start3A_566 = arith.constant 0 : i32
      %dma_start3A_567 = tpu.memref_slice %arg2[%add3A_562, %dma_start3A_566] : memref<204800x384xf32, #tpu.memory_space<hbm>> -> memref<400x384xf32, #tpu.memory_space<hbm>>
      %dma_start3A_568 = arith.constant 400 : i32
      %dma_start3A_569 = arith.constant 0 : i32
      %dma_start3A_570 = tpu.memref_slice %arg4[%rem3A_487, %dma_start3A_568, %dma_start3A_569] : memref<4x1600x384xf32, #tpu.memory_space<vmem>> -> memref<1x400x384xf32, #tpu.memory_space<vmem>>
      %dma_start3A_571 = tpu.memref_squeeze %dma_start3A_570 : memref<1x400x384xf32, #tpu.memory_space<vmem>> -> memref<400x384xf32, #tpu.memory_space<vmem>>
      tpu.enqueue_dma source(%dma_start3A_571 : memref<400x384xf32, #tpu.memory_space<vmem>>) target(%dma_start3A_567 : memref<400x384xf32, #tpu.memory_space<hbm>>) target_semaphore(%dma_start3A_565 : memref<!tpu.dma_semaphore, #tpu.memory_space<semaphore_mem>>)
      %mul3A_572 = arith.constant 1600 : i32
      %mul3A_573 = arith.muli %scan3A_486, %mul3A_572 : i32
      %add3A_574 = arith.constant 800 : i32
      %add3A_575 = arith.addi %mul3A_573, %add3A_574 : i32
      %dma_start3A_576 = arith.constant 2 : i32
      %dma_start3A_577 = tpu.memref_slice %arg8[%rem3A_487, %dma_start3A_576] : memref<4x4x!tpu.dma_semaphore, #tpu.memory_space<semaphore_mem>> -> memref<1x1x!tpu.dma_semaphore, #tpu.memory_space<semaphore_mem>>
      %dma_start3A_578 = tpu.memref_squeeze %dma_start3A_577 : memref<1x1x!tpu.dma_semaphore, #tpu.memory_space<semaphore_mem>> -> memref<!tpu.dma_semaphore, #tpu.memory_space<semaphore_mem>>
      %dma_start3A_579 = arith.constant 0 : i32
      %dma_start3A_580 = tpu.memref_slice %arg2[%add3A_575, %dma_start3A_579] : memref<204800x384xf32, #tpu.memory_space<hbm>> -> memref<400x384xf32, #tpu.memory_space<hbm>>
      %dma_start3A_581 = arith.constant 800 : i32
      %dma_start3A_582 = arith.constant 0 : i32
      %dma_start3A_583 = tpu.memref_slice %arg4[%rem3A_487, %dma_start3A_581, %dma_start3A_582] : memref<4x1600x384xf32, #tpu.memory_space<vmem>> -> memref<1x400x384xf32, #tpu.memory_space<vmem>>
      %dma_start3A_584 = tpu.memref_squeeze %dma_start3A_583 : memref<1x400x384xf32, #tpu.memory_space<vmem>> -> memref<400x384xf32, #tpu.memory_space<vmem>>
      tpu.enqueue_dma source(%dma_start3A_584 : memref<400x384xf32, #tpu.memory_space<vmem>>) target(%dma_start3A_580 : memref<400x384xf32, #tpu.memory_space<hbm>>) target_semaphore(%dma_start3A_578 : memref<!tpu.dma_semaphore, #tpu.memory_space<semaphore_mem>>)
      %mul3A_585 = arith.constant 1600 : i32
      %mul3A_586 = arith.muli %scan3A_486, %mul3A_585 : i32
      %add3A_587 = arith.constant 1200 : i32
      %add3A_588 = arith.addi %mul3A_586, %add3A_587 : i32
      %dma_start3A_589 = arith.constant 3 : i32
      %dma_start3A_590 = tpu.memref_slice %arg8[%rem3A_487, %dma_start3A_589] : memref<4x4x!tpu.dma_semaphore, #tpu.memory_space<semaphore_mem>> -> memref<1x1x!tpu.dma_semaphore, #tpu.memory_space<semaphore_mem>>
      %dma_start3A_591 = tpu.memref_squeeze %dma_start3A_590 : memref<1x1x!tpu.dma_semaphore, #tpu.memory_space<semaphore_mem>> -> memref<!tpu.dma_semaphore, #tpu.memory_space<semaphore_mem>>
      %dma_start3A_592 = arith.constant 0 : i32
      %dma_start3A_593 = tpu.memref_slice %arg2[%add3A_588, %dma_start3A_592] : memref<204800x384xf32, #tpu.memory_space<hbm>> -> memref<400x384xf32, #tpu.memory_space<hbm>>
      %dma_start3A_594 = arith.constant 1200 : i32
      %dma_start3A_595 = arith.constant 0 : i32
      %dma_start3A_596 = tpu.memref_slice %arg4[%rem3A_487, %dma_start3A_594, %dma_start3A_595] : memref<4x1600x384xf32, #tpu.memory_space<vmem>> -> memref<1x400x384xf32, #tpu.memory_space<vmem>>
      %dma_start3A_597 = tpu.memref_squeeze %dma_start3A_596 : memref<1x400x384xf32, #tpu.memory_space<vmem>> -> memref<400x384xf32, #tpu.memory_space<vmem>>
      tpu.enqueue_dma source(%dma_start3A_597 : memref<400x384xf32, #tpu.memory_space<vmem>>) target(%dma_start3A_593 : memref<400x384xf32, #tpu.memory_space<hbm>>) target_semaphore(%dma_start3A_591 : memref<!tpu.dma_semaphore, #tpu.memory_space<semaphore_mem>>)
      %add3A_598 = arith.constant 4 : i32
      %add3A_599 = arith.addi %scan3A_486, %add3A_598 : i32
      %lt3A = arith.constant 128 : i32
      %lt3A_600 = arith.cmpi slt, %add3A_599, %lt3A : i32
      %convert_element_type3A_601 = arith.extui %lt3A_600 : i1 to i32
      %cond3A_602 = arith.constant 0 : i32
      %cond3A_603 = arith.cmpi ne, %convert_element_type3A_601, %cond3A_602 : i32
      scf.if %cond3A_603 {
        %add3A_604 = arith.constant 4 : i32
        %add3A_605 = arith.addi %scan3A_486, %add3A_604 : i32
        %mul3A_606 = arith.constant 1600 : i32
        %mul3A_607 = arith.muli %add3A_605, %mul3A_606 : i32
        %add3A_608 = arith.constant 0 : i32
        %add3A_609 = arith.addi %mul3A_607, %add3A_608 : i32
        %dma_start3A_610 = arith.constant 0 : i32
        %dma_start3A_611 = tpu.memref_slice %arg7[%rem3A_487, %dma_start3A_610] : memref<4x4x!tpu.dma_semaphore, #tpu.memory_space<semaphore_mem>> -> memref<1x1x!tpu.dma_semaphore, #tpu.memory_space<semaphore_mem>>
        %dma_start3A_612 = tpu.memref_squeeze %dma_start3A_611 : memref<1x1x!tpu.dma_semaphore, #tpu.memory_space<semaphore_mem>> -> memref<!tpu.dma_semaphore, #tpu.memory_space<semaphore_mem>>
        %dma_start3A_613 = arith.constant 0 : i32
        %dma_start3A_614 = arith.constant 0 : i32
        %dma_start3A_615 = tpu.memref_slice %arg3[%rem3A_487, %dma_start3A_613, %dma_start3A_614] : memref<4x1600x256xf32, #tpu.memory_space<vmem>> -> memref<1x400x256xf32, #tpu.memory_space<vmem>>
        %dma_start3A_616 = tpu.memref_squeeze %dma_start3A_615 : memref<1x400x256xf32, #tpu.memory_space<vmem>> -> memref<400x256xf32, #tpu.memory_space<vmem>>
        %dma_start3A_617 = arith.constant 0 : i32
        %dma_start3A_618 = tpu.memref_slice %arg0[%add3A_609, %dma_start3A_617] : memref<204800x256xf32, #tpu.memory_space<hbm>> -> memref<400x256xf32, #tpu.memory_space<hbm>>
        tpu.enqueue_dma source(%dma_start3A_618 : memref<400x256xf32, #tpu.memory_space<hbm>>) target(%dma_start3A_616 : memref<400x256xf32, #tpu.memory_space<vmem>>) target_semaphore(%dma_start3A_612 : memref<!tpu.dma_semaphore, #tpu.memory_space<semaphore_mem>>)
        %mul3A_619 = arith.constant 1600 : i32
        %mul3A_620 = arith.muli %add3A_605, %mul3A_619 : i32
        %add3A_621 = arith.constant 400 : i32
        %add3A_622 = arith.addi %mul3A_620, %add3A_621 : i32
        %dma_start3A_623 = arith.constant 1 : i32
        %dma_start3A_624 = tpu.memref_slice %arg7[%rem3A_487, %dma_start3A_623] : memref<4x4x!tpu.dma_semaphore, #tpu.memory_space<semaphore_mem>> -> memref<1x1x!tpu.dma_semaphore, #tpu.memory_space<semaphore_mem>>
        %dma_start3A_625 = tpu.memref_squeeze %dma_start3A_624 : memref<1x1x!tpu.dma_semaphore, #tpu.memory_space<semaphore_mem>> -> memref<!tpu.dma_semaphore, #tpu.memory_space<semaphore_mem>>
        %dma_start3A_626 = arith.constant 400 : i32
        %dma_start3A_627 = arith.constant 0 : i32
        %dma_start3A_628 = tpu.memref_slice %arg3[%rem3A_487, %dma_start3A_626, %dma_start3A_627] : memref<4x1600x256xf32, #tpu.memory_space<vmem>> -> memref<1x400x256xf32, #tpu.memory_space<vmem>>
        %dma_start3A_629 = tpu.memref_squeeze %dma_start3A_628 : memref<1x400x256xf32, #tpu.memory_space<vmem>> -> memref<400x256xf32, #tpu.memory_space<vmem>>
        %dma_start3A_630 = arith.constant 0 : i32
        %dma_start3A_631 = tpu.memref_slice %arg0[%add3A_622, %dma_start3A_630] : memref<204800x256xf32, #tpu.memory_space<hbm>> -> memref<400x256xf32, #tpu.memory_space<hbm>>
        tpu.enqueue_dma source(%dma_start3A_631 : memref<400x256xf32, #tpu.memory_space<hbm>>) target(%dma_start3A_629 : memref<400x256xf32, #tpu.memory_space<vmem>>) target_semaphore(%dma_start3A_625 : memref<!tpu.dma_semaphore, #tpu.memory_space<semaphore_mem>>)
        %mul3A_632 = arith.constant 1600 : i32
        %mul3A_633 = arith.muli %add3A_605, %mul3A_632 : i32
        %add3A_634 = arith.constant 800 : i32
        %add3A_635 = arith.addi %mul3A_633, %add3A_634 : i32
        %dma_start3A_636 = arith.constant 2 : i32
        %dma_start3A_637 = tpu.memref_slice %arg7[%rem3A_487, %dma_start3A_636] : memref<4x4x!tpu.dma_semaphore, #tpu.memory_space<semaphore_mem>> -> memref<1x1x!tpu.dma_semaphore, #tpu.memory_space<semaphore_mem>>
        %dma_start3A_638 = tpu.memref_squeeze %dma_start3A_637 : memref<1x1x!tpu.dma_semaphore, #tpu.memory_space<semaphore_mem>> -> memref<!tpu.dma_semaphore, #tpu.memory_space<semaphore_mem>>
        %dma_start3A_639 = arith.constant 800 : i32
        %dma_start3A_640 = arith.constant 0 : i32
        %dma_start3A_641 = tpu.memref_slice %arg3[%rem3A_487, %dma_start3A_639, %dma_start3A_640] : memref<4x1600x256xf32, #tpu.memory_space<vmem>> -> memref<1x400x256xf32, #tpu.memory_space<vmem>>
        %dma_start3A_642 = tpu.memref_squeeze %dma_start3A_641 : memref<1x400x256xf32, #tpu.memory_space<vmem>> -> memref<400x256xf32, #tpu.memory_space<vmem>>
        %dma_start3A_643 = arith.constant 0 : i32
        %dma_start3A_644 = tpu.memref_slice %arg0[%add3A_635, %dma_start3A_643] : memref<204800x256xf32, #tpu.memory_space<hbm>> -> memref<400x256xf32, #tpu.memory_space<hbm>>
        tpu.enqueue_dma source(%dma_start3A_644 : memref<400x256xf32, #tpu.memory_space<hbm>>) target(%dma_start3A_642 : memref<400x256xf32, #tpu.memory_space<vmem>>) target_semaphore(%dma_start3A_638 : memref<!tpu.dma_semaphore, #tpu.memory_space<semaphore_mem>>)
        %mul3A_645 = arith.constant 1600 : i32
        %mul3A_646 = arith.muli %add3A_605, %mul3A_645 : i32
        %add3A_647 = arith.constant 1200 : i32
        %add3A_648 = arith.addi %mul3A_646, %add3A_647 : i32
        %dma_start3A_649 = arith.constant 3 : i32
        %dma_start3A_650 = tpu.memref_slice %arg7[%rem3A_487, %dma_start3A_649] : memref<4x4x!tpu.dma_semaphore, #tpu.memory_space<semaphore_mem>> -> memref<1x1x!tpu.dma_semaphore, #tpu.memory_space<semaphore_mem>>
        %dma_start3A_651 = tpu.memref_squeeze %dma_start3A_650 : memref<1x1x!tpu.dma_semaphore, #tpu.memory_space<semaphore_mem>> -> memref<!tpu.dma_semaphore, #tpu.memory_space<semaphore_mem>>
        %dma_start3A_652 = arith.constant 1200 : i32
        %dma_start3A_653 = arith.constant 0 : i32
        %dma_start3A_654 = tpu.memref_slice %arg3[%rem3A_487, %dma_start3A_652, %dma_start3A_653] : memref<4x1600x256xf32, #tpu.memory_space<vmem>> -> memref<1x400x256xf32, #tpu.memory_space<vmem>>
        %dma_start3A_655 = tpu.memref_squeeze %dma_start3A_654 : memref<1x400x256xf32, #tpu.memory_space<vmem>> -> memref<400x256xf32, #tpu.memory_space<vmem>>
        %dma_start3A_656 = arith.constant 0 : i32
        %dma_start3A_657 = tpu.memref_slice %arg0[%add3A_648, %dma_start3A_656] : memref<204800x256xf32, #tpu.memory_space<hbm>> -> memref<400x256xf32, #tpu.memory_space<hbm>>
        tpu.enqueue_dma source(%dma_start3A_657 : memref<400x256xf32, #tpu.memory_space<hbm>>) target(%dma_start3A_655 : memref<400x256xf32, #tpu.memory_space<vmem>>) target_semaphore(%dma_start3A_651 : memref<!tpu.dma_semaphore, #tpu.memory_space<semaphore_mem>>)
      } else {
      }
    }
    %scan3A_294 = arith.constant 128 : i32
    %dma_wait3A = arith.constant 0 : i32
    %dma_wait3A_295 = arith.constant 0 : i32
    %dma_wait3A_296 = arith.constant 0 : i32
    %dma_wait3A_297 = tpu.memref_slice %arg8[%dma_wait3A_295, %dma_wait3A_296] : memref<4x4x!tpu.dma_semaphore, #tpu.memory_space<semaphore_mem>> -> memref<1x1x!tpu.dma_semaphore, #tpu.memory_space<semaphore_mem>>
    %dma_wait3A_298 = tpu.memref_squeeze %dma_wait3A_297 : memref<1x1x!tpu.dma_semaphore, #tpu.memory_space<semaphore_mem>> -> memref<!tpu.dma_semaphore, #tpu.memory_space<semaphore_mem>>
    %dma_wait3A_299 = arith.constant 0 : i32
    %dma_wait3A_300 = arith.constant 0 : i32
    %dma_wait3A_301 = tpu.memref_slice %arg2[%dma_wait3A_299, %dma_wait3A_300] : memref<204800x384xf32, #tpu.memory_space<hbm>> -> memref<400x384xf32, #tpu.memory_space<hbm>>
    %dma_wait3A_302 = arith.constant 0 : i32
    %dma_wait3A_303 = arith.constant 0 : i32
    %dma_wait3A_304 = tpu.memref_slice %arg4[%dma_wait3A, %dma_wait3A_302, %dma_wait3A_303] : memref<4x1600x384xf32, #tpu.memory_space<vmem>> -> memref<1x400x384xf32, #tpu.memory_space<vmem>>
    %dma_wait3A_305 = tpu.memref_squeeze %dma_wait3A_304 : memref<1x400x384xf32, #tpu.memory_space<vmem>> -> memref<400x384xf32, #tpu.memory_space<vmem>>
    tpu.wait_dma2 semaphore(%dma_wait3A_298 : memref<!tpu.dma_semaphore, #tpu.memory_space<semaphore_mem>>) src(%dma_wait3A_305 : memref<400x384xf32, #tpu.memory_space<vmem>>) dst(%dma_wait3A_301 : memref<400x384xf32, #tpu.memory_space<hbm>>)
    %dma_wait3A_306 = arith.constant 0 : i32
    %dma_wait3A_307 = arith.constant 0 : i32
    %dma_wait3A_308 = arith.constant 1 : i32
    %dma_wait3A_309 = tpu.memref_slice %arg8[%dma_wait3A_307, %dma_wait3A_308] : memref<4x4x!tpu.dma_semaphore, #tpu.memory_space<semaphore_mem>> -> memref<1x1x!tpu.dma_semaphore, #tpu.memory_space<semaphore_mem>>
    %dma_wait3A_310 = tpu.memref_squeeze %dma_wait3A_309 : memref<1x1x!tpu.dma_semaphore, #tpu.memory_space<semaphore_mem>> -> memref<!tpu.dma_semaphore, #tpu.memory_space<semaphore_mem>>
    %dma_wait3A_311 = arith.constant 0 : i32
    %dma_wait3A_312 = arith.constant 0 : i32
    %dma_wait3A_313 = tpu.memref_slice %arg2[%dma_wait3A_311, %dma_wait3A_312] : memref<204800x384xf32, #tpu.memory_space<hbm>> -> memref<400x384xf32, #tpu.memory_space<hbm>>
    %dma_wait3A_314 = arith.constant 400 : i32
    %dma_wait3A_315 = arith.constant 0 : i32
    %dma_wait3A_316 = tpu.memref_slice %arg4[%dma_wait3A_306, %dma_wait3A_314, %dma_wait3A_315] : memref<4x1600x384xf32, #tpu.memory_space<vmem>> -> memref<1x400x384xf32, #tpu.memory_space<vmem>>
    %dma_wait3A_317 = tpu.memref_squeeze %dma_wait3A_316 : memref<1x400x384xf32, #tpu.memory_space<vmem>> -> memref<400x384xf32, #tpu.memory_space<vmem>>
    tpu.wait_dma2 semaphore(%dma_wait3A_310 : memref<!tpu.dma_semaphore, #tpu.memory_space<semaphore_mem>>) src(%dma_wait3A_317 : memref<400x384xf32, #tpu.memory_space<vmem>>) dst(%dma_wait3A_313 : memref<400x384xf32, #tpu.memory_space<hbm>>)
    %dma_wait3A_318 = arith.constant 0 : i32
    %dma_wait3A_319 = arith.constant 0 : i32
    %dma_wait3A_320 = arith.constant 2 : i32
    %dma_wait3A_321 = tpu.memref_slice %arg8[%dma_wait3A_319, %dma_wait3A_320] : memref<4x4x!tpu.dma_semaphore, #tpu.memory_space<semaphore_mem>> -> memref<1x1x!tpu.dma_semaphore, #tpu.memory_space<semaphore_mem>>
    %dma_wait3A_322 = tpu.memref_squeeze %dma_wait3A_321 : memref<1x1x!tpu.dma_semaphore, #tpu.memory_space<semaphore_mem>> -> memref<!tpu.dma_semaphore, #tpu.memory_space<semaphore_mem>>
    %dma_wait3A_323 = arith.constant 0 : i32
    %dma_wait3A_324 = arith.constant 0 : i32
    %dma_wait3A_325 = tpu.memref_slice %arg2[%dma_wait3A_323, %dma_wait3A_324] : memref<204800x384xf32, #tpu.memory_space<hbm>> -> memref<400x384xf32, #tpu.memory_space<hbm>>
    %dma_wait3A_326 = arith.constant 800 : i32
    %dma_wait3A_327 = arith.constant 0 : i32
    %dma_wait3A_328 = tpu.memref_slice %arg4[%dma_wait3A_318, %dma_wait3A_326, %dma_wait3A_327] : memref<4x1600x384xf32, #tpu.memory_space<vmem>> -> memref<1x400x384xf32, #tpu.memory_space<vmem>>
    %dma_wait3A_329 = tpu.memref_squeeze %dma_wait3A_328 : memref<1x400x384xf32, #tpu.memory_space<vmem>> -> memref<400x384xf32, #tpu.memory_space<vmem>>
    tpu.wait_dma2 semaphore(%dma_wait3A_322 : memref<!tpu.dma_semaphore, #tpu.memory_space<semaphore_mem>>) src(%dma_wait3A_329 : memref<400x384xf32, #tpu.memory_space<vmem>>) dst(%dma_wait3A_325 : memref<400x384xf32, #tpu.memory_space<hbm>>)
    %dma_wait3A_330 = arith.constant 0 : i32
    %dma_wait3A_331 = arith.constant 0 : i32
    %dma_wait3A_332 = arith.constant 3 : i32
    %dma_wait3A_333 = tpu.memref_slice %arg8[%dma_wait3A_331, %dma_wait3A_332] : memref<4x4x!tpu.dma_semaphore, #tpu.memory_space<semaphore_mem>> -> memref<1x1x!tpu.dma_semaphore, #tpu.memory_space<semaphore_mem>>
    %dma_wait3A_334 = tpu.memref_squeeze %dma_wait3A_333 : memref<1x1x!tpu.dma_semaphore, #tpu.memory_space<semaphore_mem>> -> memref<!tpu.dma_semaphore, #tpu.memory_space<semaphore_mem>>
    %dma_wait3A_335 = arith.constant 0 : i32
    %dma_wait3A_336 = arith.constant 0 : i32
    %dma_wait3A_337 = tpu.memref_slice %arg2[%dma_wait3A_335, %dma_wait3A_336] : memref<204800x384xf32, #tpu.memory_space<hbm>> -> memref<400x384xf32, #tpu.memory_space<hbm>>
    %dma_wait3A_338 = arith.constant 1200 : i32
    %dma_wait3A_339 = arith.constant 0 : i32
    %dma_wait3A_340 = tpu.memref_slice %arg4[%dma_wait3A_330, %dma_wait3A_338, %dma_wait3A_339] : memref<4x1600x384xf32, #tpu.memory_space<vmem>> -> memref<1x400x384xf32, #tpu.memory_space<vmem>>
    %dma_wait3A_341 = tpu.memref_squeeze %dma_wait3A_340 : memref<1x400x384xf32, #tpu.memory_space<vmem>> -> memref<400x384xf32, #tpu.memory_space<vmem>>
    tpu.wait_dma2 semaphore(%dma_wait3A_334 : memref<!tpu.dma_semaphore, #tpu.memory_space<semaphore_mem>>) src(%dma_wait3A_341 : memref<400x384xf32, #tpu.memory_space<vmem>>) dst(%dma_wait3A_337 : memref<400x384xf32, #tpu.memory_space<hbm>>)
    %dma_wait3A_342 = arith.constant 1 : i32
    %dma_wait3A_343 = arith.constant 1 : i32
    %dma_wait3A_344 = arith.constant 0 : i32
    %dma_wait3A_345 = tpu.memref_slice %arg8[%dma_wait3A_343, %dma_wait3A_344] : memref<4x4x!tpu.dma_semaphore, #tpu.memory_space<semaphore_mem>> -> memref<1x1x!tpu.dma_semaphore, #tpu.memory_space<semaphore_mem>>
    %dma_wait3A_346 = tpu.memref_squeeze %dma_wait3A_345 : memref<1x1x!tpu.dma_semaphore, #tpu.memory_space<semaphore_mem>> -> memref<!tpu.dma_semaphore, #tpu.memory_space<semaphore_mem>>
    %dma_wait3A_347 = arith.constant 0 : i32
    %dma_wait3A_348 = arith.constant 0 : i32
    %dma_wait3A_349 = tpu.memref_slice %arg2[%dma_wait3A_347, %dma_wait3A_348] : memref<204800x384xf32, #tpu.memory_space<hbm>> -> memref<400x384xf32, #tpu.memory_space<hbm>>
    %dma_wait3A_350 = arith.constant 0 : i32
    %dma_wait3A_351 = arith.constant 0 : i32
    %dma_wait3A_352 = tpu.memref_slice %arg4[%dma_wait3A_342, %dma_wait3A_350, %dma_wait3A_351] : memref<4x1600x384xf32, #tpu.memory_space<vmem>> -> memref<1x400x384xf32, #tpu.memory_space<vmem>>
    %dma_wait3A_353 = tpu.memref_squeeze %dma_wait3A_352 : memref<1x400x384xf32, #tpu.memory_space<vmem>> -> memref<400x384xf32, #tpu.memory_space<vmem>>
    tpu.wait_dma2 semaphore(%dma_wait3A_346 : memref<!tpu.dma_semaphore, #tpu.memory_space<semaphore_mem>>) src(%dma_wait3A_353 : memref<400x384xf32, #tpu.memory_space<vmem>>) dst(%dma_wait3A_349 : memref<400x384xf32, #tpu.memory_space<hbm>>)
    %dma_wait3A_354 = arith.constant 1 : i32
    %dma_wait3A_355 = arith.constant 1 : i32
    %dma_wait3A_356 = arith.constant 1 : i32
    %dma_wait3A_357 = tpu.memref_slice %arg8[%dma_wait3A_355, %dma_wait3A_356] : memref<4x4x!tpu.dma_semaphore, #tpu.memory_space<semaphore_mem>> -> memref<1x1x!tpu.dma_semaphore, #tpu.memory_space<semaphore_mem>>
    %dma_wait3A_358 = tpu.memref_squeeze %dma_wait3A_357 : memref<1x1x!tpu.dma_semaphore, #tpu.memory_space<semaphore_mem>> -> memref<!tpu.dma_semaphore, #tpu.memory_space<semaphore_mem>>
    %dma_wait3A_359 = arith.constant 0 : i32
    %dma_wait3A_360 = arith.constant 0 : i32
    %dma_wait3A_361 = tpu.memref_slice %arg2[%dma_wait3A_359, %dma_wait3A_360] : memref<204800x384xf32, #tpu.memory_space<hbm>> -> memref<400x384xf32, #tpu.memory_space<hbm>>
    %dma_wait3A_362 = arith.constant 400 : i32
    %dma_wait3A_363 = arith.constant 0 : i32
    %dma_wait3A_364 = tpu.memref_slice %arg4[%dma_wait3A_354, %dma_wait3A_362, %dma_wait3A_363] : memref<4x1600x384xf32, #tpu.memory_space<vmem>> -> memref<1x400x384xf32, #tpu.memory_space<vmem>>
    %dma_wait3A_365 = tpu.memref_squeeze %dma_wait3A_364 : memref<1x400x384xf32, #tpu.memory_space<vmem>> -> memref<400x384xf32, #tpu.memory_space<vmem>>
    tpu.wait_dma2 semaphore(%dma_wait3A_358 : memref<!tpu.dma_semaphore, #tpu.memory_space<semaphore_mem>>) src(%dma_wait3A_365 : memref<400x384xf32, #tpu.memory_space<vmem>>) dst(%dma_wait3A_361 : memref<400x384xf32, #tpu.memory_space<hbm>>)
    %dma_wait3A_366 = arith.constant 1 : i32
    %dma_wait3A_367 = arith.constant 1 : i32
    %dma_wait3A_368 = arith.constant 2 : i32
    %dma_wait3A_369 = tpu.memref_slice %arg8[%dma_wait3A_367, %dma_wait3A_368] : memref<4x4x!tpu.dma_semaphore, #tpu.memory_space<semaphore_mem>> -> memref<1x1x!tpu.dma_semaphore, #tpu.memory_space<semaphore_mem>>
    %dma_wait3A_370 = tpu.memref_squeeze %dma_wait3A_369 : memref<1x1x!tpu.dma_semaphore, #tpu.memory_space<semaphore_mem>> -> memref<!tpu.dma_semaphore, #tpu.memory_space<semaphore_mem>>
    %dma_wait3A_371 = arith.constant 0 : i32
    %dma_wait3A_372 = arith.constant 0 : i32
    %dma_wait3A_373 = tpu.memref_slice %arg2[%dma_wait3A_371, %dma_wait3A_372] : memref<204800x384xf32, #tpu.memory_space<hbm>> -> memref<400x384xf32, #tpu.memory_space<hbm>>
    %dma_wait3A_374 = arith.constant 800 : i32
    %dma_wait3A_375 = arith.constant 0 : i32
    %dma_wait3A_376 = tpu.memref_slice %arg4[%dma_wait3A_366, %dma_wait3A_374, %dma_wait3A_375] : memref<4x1600x384xf32, #tpu.memory_space<vmem>> -> memref<1x400x384xf32, #tpu.memory_space<vmem>>
    %dma_wait3A_377 = tpu.memref_squeeze %dma_wait3A_376 : memref<1x400x384xf32, #tpu.memory_space<vmem>> -> memref<400x384xf32, #tpu.memory_space<vmem>>
    tpu.wait_dma2 semaphore(%dma_wait3A_370 : memref<!tpu.dma_semaphore, #tpu.memory_space<semaphore_mem>>) src(%dma_wait3A_377 : memref<400x384xf32, #tpu.memory_space<vmem>>) dst(%dma_wait3A_373 : memref<400x384xf32, #tpu.memory_space<hbm>>)
    %dma_wait3A_378 = arith.constant 1 : i32
    %dma_wait3A_379 = arith.constant 1 : i32
    %dma_wait3A_380 = arith.constant 3 : i32
    %dma_wait3A_381 = tpu.memref_slice %arg8[%dma_wait3A_379, %dma_wait3A_380] : memref<4x4x!tpu.dma_semaphore, #tpu.memory_space<semaphore_mem>> -> memref<1x1x!tpu.dma_semaphore, #tpu.memory_space<semaphore_mem>>
    %dma_wait3A_382 = tpu.memref_squeeze %dma_wait3A_381 : memref<1x1x!tpu.dma_semaphore, #tpu.memory_space<semaphore_mem>> -> memref<!tpu.dma_semaphore, #tpu.memory_space<semaphore_mem>>
    %dma_wait3A_383 = arith.constant 0 : i32
    %dma_wait3A_384 = arith.constant 0 : i32
    %dma_wait3A_385 = tpu.memref_slice %arg2[%dma_wait3A_383, %dma_wait3A_384] : memref<204800x384xf32, #tpu.memory_space<hbm>> -> memref<400x384xf32, #tpu.memory_space<hbm>>
    %dma_wait3A_386 = arith.constant 1200 : i32
    %dma_wait3A_387 = arith.constant 0 : i32
    %dma_wait3A_388 = tpu.memref_slice %arg4[%dma_wait3A_378, %dma_wait3A_386, %dma_wait3A_387] : memref<4x1600x384xf32, #tpu.memory_space<vmem>> -> memref<1x400x384xf32, #tpu.memory_space<vmem>>
    %dma_wait3A_389 = tpu.memref_squeeze %dma_wait3A_388 : memref<1x400x384xf32, #tpu.memory_space<vmem>> -> memref<400x384xf32, #tpu.memory_space<vmem>>
    tpu.wait_dma2 semaphore(%dma_wait3A_382 : memref<!tpu.dma_semaphore, #tpu.memory_space<semaphore_mem>>) src(%dma_wait3A_389 : memref<400x384xf32, #tpu.memory_space<vmem>>) dst(%dma_wait3A_385 : memref<400x384xf32, #tpu.memory_space<hbm>>)
    %dma_wait3A_390 = arith.constant 2 : i32
    %dma_wait3A_391 = arith.constant 2 : i32
    %dma_wait3A_392 = arith.constant 0 : i32
    %dma_wait3A_393 = tpu.memref_slice %arg8[%dma_wait3A_391, %dma_wait3A_392] : memref<4x4x!tpu.dma_semaphore, #tpu.memory_space<semaphore_mem>> -> memref<1x1x!tpu.dma_semaphore, #tpu.memory_space<semaphore_mem>>
    %dma_wait3A_394 = tpu.memref_squeeze %dma_wait3A_393 : memref<1x1x!tpu.dma_semaphore, #tpu.memory_space<semaphore_mem>> -> memref<!tpu.dma_semaphore, #tpu.memory_space<semaphore_mem>>
    %dma_wait3A_395 = arith.constant 0 : i32
    %dma_wait3A_396 = arith.constant 0 : i32
    %dma_wait3A_397 = tpu.memref_slice %arg2[%dma_wait3A_395, %dma_wait3A_396] : memref<204800x384xf32, #tpu.memory_space<hbm>> -> memref<400x384xf32, #tpu.memory_space<hbm>>
    %dma_wait3A_398 = arith.constant 0 : i32
    %dma_wait3A_399 = arith.constant 0 : i32
    %dma_wait3A_400 = tpu.memref_slice %arg4[%dma_wait3A_390, %dma_wait3A_398, %dma_wait3A_399] : memref<4x1600x384xf32, #tpu.memory_space<vmem>> -> memref<1x400x384xf32, #tpu.memory_space<vmem>>
    %dma_wait3A_401 = tpu.memref_squeeze %dma_wait3A_400 : memref<1x400x384xf32, #tpu.memory_space<vmem>> -> memref<400x384xf32, #tpu.memory_space<vmem>>
    tpu.wait_dma2 semaphore(%dma_wait3A_394 : memref<!tpu.dma_semaphore, #tpu.memory_space<semaphore_mem>>) src(%dma_wait3A_401 : memref<400x384xf32, #tpu.memory_space<vmem>>) dst(%dma_wait3A_397 : memref<400x384xf32, #tpu.memory_space<hbm>>)
    %dma_wait3A_402 = arith.constant 2 : i32
    %dma_wait3A_403 = arith.constant 2 : i32
    %dma_wait3A_404 = arith.constant 1 : i32
    %dma_wait3A_405 = tpu.memref_slice %arg8[%dma_wait3A_403, %dma_wait3A_404] : memref<4x4x!tpu.dma_semaphore, #tpu.memory_space<semaphore_mem>> -> memref<1x1x!tpu.dma_semaphore, #tpu.memory_space<semaphore_mem>>
    %dma_wait3A_406 = tpu.memref_squeeze %dma_wait3A_405 : memref<1x1x!tpu.dma_semaphore, #tpu.memory_space<semaphore_mem>> -> memref<!tpu.dma_semaphore, #tpu.memory_space<semaphore_mem>>
    %dma_wait3A_407 = arith.constant 0 : i32
    %dma_wait3A_408 = arith.constant 0 : i32
    %dma_wait3A_409 = tpu.memref_slice %arg2[%dma_wait3A_407, %dma_wait3A_408] : memref<204800x384xf32, #tpu.memory_space<hbm>> -> memref<400x384xf32, #tpu.memory_space<hbm>>
    %dma_wait3A_410 = arith.constant 400 : i32
    %dma_wait3A_411 = arith.constant 0 : i32
    %dma_wait3A_412 = tpu.memref_slice %arg4[%dma_wait3A_402, %dma_wait3A_410, %dma_wait3A_411] : memref<4x1600x384xf32, #tpu.memory_space<vmem>> -> memref<1x400x384xf32, #tpu.memory_space<vmem>>
    %dma_wait3A_413 = tpu.memref_squeeze %dma_wait3A_412 : memref<1x400x384xf32, #tpu.memory_space<vmem>> -> memref<400x384xf32, #tpu.memory_space<vmem>>
    tpu.wait_dma2 semaphore(%dma_wait3A_406 : memref<!tpu.dma_semaphore, #tpu.memory_space<semaphore_mem>>) src(%dma_wait3A_413 : memref<400x384xf32, #tpu.memory_space<vmem>>) dst(%dma_wait3A_409 : memref<400x384xf32, #tpu.memory_space<hbm>>)
    %dma_wait3A_414 = arith.constant 2 : i32
    %dma_wait3A_415 = arith.constant 2 : i32
    %dma_wait3A_416 = arith.constant 2 : i32
    %dma_wait3A_417 = tpu.memref_slice %arg8[%dma_wait3A_415, %dma_wait3A_416] : memref<4x4x!tpu.dma_semaphore, #tpu.memory_space<semaphore_mem>> -> memref<1x1x!tpu.dma_semaphore, #tpu.memory_space<semaphore_mem>>
    %dma_wait3A_418 = tpu.memref_squeeze %dma_wait3A_417 : memref<1x1x!tpu.dma_semaphore, #tpu.memory_space<semaphore_mem>> -> memref<!tpu.dma_semaphore, #tpu.memory_space<semaphore_mem>>
    %dma_wait3A_419 = arith.constant 0 : i32
    %dma_wait3A_420 = arith.constant 0 : i32
    %dma_wait3A_421 = tpu.memref_slice %arg2[%dma_wait3A_419, %dma_wait3A_420] : memref<204800x384xf32, #tpu.memory_space<hbm>> -> memref<400x384xf32, #tpu.memory_space<hbm>>
    %dma_wait3A_422 = arith.constant 800 : i32
    %dma_wait3A_423 = arith.constant 0 : i32
    %dma_wait3A_424 = tpu.memref_slice %arg4[%dma_wait3A_414, %dma_wait3A_422, %dma_wait3A_423] : memref<4x1600x384xf32, #tpu.memory_space<vmem>> -> memref<1x400x384xf32, #tpu.memory_space<vmem>>
    %dma_wait3A_425 = tpu.memref_squeeze %dma_wait3A_424 : memref<1x400x384xf32, #tpu.memory_space<vmem>> -> memref<400x384xf32, #tpu.memory_space<vmem>>
    tpu.wait_dma2 semaphore(%dma_wait3A_418 : memref<!tpu.dma_semaphore, #tpu.memory_space<semaphore_mem>>) src(%dma_wait3A_425 : memref<400x384xf32, #tpu.memory_space<vmem>>) dst(%dma_wait3A_421 : memref<400x384xf32, #tpu.memory_space<hbm>>)
    %dma_wait3A_426 = arith.constant 2 : i32
    %dma_wait3A_427 = arith.constant 2 : i32
    %dma_wait3A_428 = arith.constant 3 : i32
    %dma_wait3A_429 = tpu.memref_slice %arg8[%dma_wait3A_427, %dma_wait3A_428] : memref<4x4x!tpu.dma_semaphore, #tpu.memory_space<semaphore_mem>> -> memref<1x1x!tpu.dma_semaphore, #tpu.memory_space<semaphore_mem>>
    %dma_wait3A_430 = tpu.memref_squeeze %dma_wait3A_429 : memref<1x1x!tpu.dma_semaphore, #tpu.memory_space<semaphore_mem>> -> memref<!tpu.dma_semaphore, #tpu.memory_space<semaphore_mem>>
    %dma_wait3A_431 = arith.constant 0 : i32
    %dma_wait3A_432 = arith.constant 0 : i32
    %dma_wait3A_433 = tpu.memref_slice %arg2[%dma_wait3A_431, %dma_wait3A_432] : memref<204800x384xf32, #tpu.memory_space<hbm>> -> memref<400x384xf32, #tpu.memory_space<hbm>>
    %dma_wait3A_434 = arith.constant 1200 : i32
    %dma_wait3A_435 = arith.constant 0 : i32
    %dma_wait3A_436 = tpu.memref_slice %arg4[%dma_wait3A_426, %dma_wait3A_434, %dma_wait3A_435] : memref<4x1600x384xf32, #tpu.memory_space<vmem>> -> memref<1x400x384xf32, #tpu.memory_space<vmem>>
    %dma_wait3A_437 = tpu.memref_squeeze %dma_wait3A_436 : memref<1x400x384xf32, #tpu.memory_space<vmem>> -> memref<400x384xf32, #tpu.memory_space<vmem>>
    tpu.wait_dma2 semaphore(%dma_wait3A_430 : memref<!tpu.dma_semaphore, #tpu.memory_space<semaphore_mem>>) src(%dma_wait3A_437 : memref<400x384xf32, #tpu.memory_space<vmem>>) dst(%dma_wait3A_433 : memref<400x384xf32, #tpu.memory_space<hbm>>)
    %dma_wait3A_438 = arith.constant 3 : i32
    %dma_wait3A_439 = arith.constant 3 : i32
    %dma_wait3A_440 = arith.constant 0 : i32
    %dma_wait3A_441 = tpu.memref_slice %arg8[%dma_wait3A_439, %dma_wait3A_440] : memref<4x4x!tpu.dma_semaphore, #tpu.memory_space<semaphore_mem>> -> memref<1x1x!tpu.dma_semaphore, #tpu.memory_space<semaphore_mem>>
    %dma_wait3A_442 = tpu.memref_squeeze %dma_wait3A_441 : memref<1x1x!tpu.dma_semaphore, #tpu.memory_space<semaphore_mem>> -> memref<!tpu.dma_semaphore, #tpu.memory_space<semaphore_mem>>
    %dma_wait3A_443 = arith.constant 0 : i32
    %dma_wait3A_444 = arith.constant 0 : i32
    %dma_wait3A_445 = tpu.memref_slice %arg2[%dma_wait3A_443, %dma_wait3A_444] : memref<204800x384xf32, #tpu.memory_space<hbm>> -> memref<400x384xf32, #tpu.memory_space<hbm>>
    %dma_wait3A_446 = arith.constant 0 : i32
    %dma_wait3A_447 = arith.constant 0 : i32
    %dma_wait3A_448 = tpu.memref_slice %arg4[%dma_wait3A_438, %dma_wait3A_446, %dma_wait3A_447] : memref<4x1600x384xf32, #tpu.memory_space<vmem>> -> memref<1x400x384xf32, #tpu.memory_space<vmem>>
    %dma_wait3A_449 = tpu.memref_squeeze %dma_wait3A_448 : memref<1x400x384xf32, #tpu.memory_space<vmem>> -> memref<400x384xf32, #tpu.memory_space<vmem>>
    tpu.wait_dma2 semaphore(%dma_wait3A_442 : memref<!tpu.dma_semaphore, #tpu.memory_space<semaphore_mem>>) src(%dma_wait3A_449 : memref<400x384xf32, #tpu.memory_space<vmem>>) dst(%dma_wait3A_445 : memref<400x384xf32, #tpu.memory_space<hbm>>)
    %dma_wait3A_450 = arith.constant 3 : i32
    %dma_wait3A_451 = arith.constant 3 : i32
    %dma_wait3A_452 = arith.constant 1 : i32
    %dma_wait3A_453 = tpu.memref_slice %arg8[%dma_wait3A_451, %dma_wait3A_452] : memref<4x4x!tpu.dma_semaphore, #tpu.memory_space<semaphore_mem>> -> memref<1x1x!tpu.dma_semaphore, #tpu.memory_space<semaphore_mem>>
    %dma_wait3A_454 = tpu.memref_squeeze %dma_wait3A_453 : memref<1x1x!tpu.dma_semaphore, #tpu.memory_space<semaphore_mem>> -> memref<!tpu.dma_semaphore, #tpu.memory_space<semaphore_mem>>
    %dma_wait3A_455 = arith.constant 0 : i32
    %dma_wait3A_456 = arith.constant 0 : i32
    %dma_wait3A_457 = tpu.memref_slice %arg2[%dma_wait3A_455, %dma_wait3A_456] : memref<204800x384xf32, #tpu.memory_space<hbm>> -> memref<400x384xf32, #tpu.memory_space<hbm>>
    %dma_wait3A_458 = arith.constant 400 : i32
    %dma_wait3A_459 = arith.constant 0 : i32
    %dma_wait3A_460 = tpu.memref_slice %arg4[%dma_wait3A_450, %dma_wait3A_458, %dma_wait3A_459] : memref<4x1600x384xf32, #tpu.memory_space<vmem>> -> memref<1x400x384xf32, #tpu.memory_space<vmem>>
    %dma_wait3A_461 = tpu.memref_squeeze %dma_wait3A_460 : memref<1x400x384xf32, #tpu.memory_space<vmem>> -> memref<400x384xf32, #tpu.memory_space<vmem>>
    tpu.wait_dma2 semaphore(%dma_wait3A_454 : memref<!tpu.dma_semaphore, #tpu.memory_space<semaphore_mem>>) src(%dma_wait3A_461 : memref<400x384xf32, #tpu.memory_space<vmem>>) dst(%dma_wait3A_457 : memref<400x384xf32, #tpu.memory_space<hbm>>)
    %dma_wait3A_462 = arith.constant 3 : i32
    %dma_wait3A_463 = arith.constant 3 : i32
    %dma_wait3A_464 = arith.constant 2 : i32
    %dma_wait3A_465 = tpu.memref_slice %arg8[%dma_wait3A_463, %dma_wait3A_464] : memref<4x4x!tpu.dma_semaphore, #tpu.memory_space<semaphore_mem>> -> memref<1x1x!tpu.dma_semaphore, #tpu.memory_space<semaphore_mem>>
    %dma_wait3A_466 = tpu.memref_squeeze %dma_wait3A_465 : memref<1x1x!tpu.dma_semaphore, #tpu.memory_space<semaphore_mem>> -> memref<!tpu.dma_semaphore, #tpu.memory_space<semaphore_mem>>
    %dma_wait3A_467 = arith.constant 0 : i32
    %dma_wait3A_468 = arith.constant 0 : i32
    %dma_wait3A_469 = tpu.memref_slice %arg2[%dma_wait3A_467, %dma_wait3A_468] : memref<204800x384xf32, #tpu.memory_space<hbm>> -> memref<400x384xf32, #tpu.memory_space<hbm>>
    %dma_wait3A_470 = arith.constant 800 : i32
    %dma_wait3A_471 = arith.constant 0 : i32
    %dma_wait3A_472 = tpu.memref_slice %arg4[%dma_wait3A_462, %dma_wait3A_470, %dma_wait3A_471] : memref<4x1600x384xf32, #tpu.memory_space<vmem>> -> memref<1x400x384xf32, #tpu.memory_space<vmem>>
    %dma_wait3A_473 = tpu.memref_squeeze %dma_wait3A_472 : memref<1x400x384xf32, #tpu.memory_space<vmem>> -> memref<400x384xf32, #tpu.memory_space<vmem>>
    tpu.wait_dma2 semaphore(%dma_wait3A_466 : memref<!tpu.dma_semaphore, #tpu.memory_space<semaphore_mem>>) src(%dma_wait3A_473 : memref<400x384xf32, #tpu.memory_space<vmem>>) dst(%dma_wait3A_469 : memref<400x384xf32, #tpu.memory_space<hbm>>)
    %dma_wait3A_474 = arith.constant 3 : i32
    %dma_wait3A_475 = arith.constant 3 : i32
    %dma_wait3A_476 = arith.constant 3 : i32
    %dma_wait3A_477 = tpu.memref_slice %arg8[%dma_wait3A_475, %dma_wait3A_476] : memref<4x4x!tpu.dma_semaphore, #tpu.memory_space<semaphore_mem>> -> memref<1x1x!tpu.dma_semaphore, #tpu.memory_space<semaphore_mem>>
    %dma_wait3A_478 = tpu.memref_squeeze %dma_wait3A_477 : memref<1x1x!tpu.dma_semaphore, #tpu.memory_space<semaphore_mem>> -> memref<!tpu.dma_semaphore, #tpu.memory_space<semaphore_mem>>
    %dma_wait3A_479 = arith.constant 0 : i32
    %dma_wait3A_480 = arith.constant 0 : i32
    %dma_wait3A_481 = tpu.memref_slice %arg2[%dma_wait3A_479, %dma_wait3A_480] : memref<204800x384xf32, #tpu.memory_space<hbm>> -> memref<400x384xf32, #tpu.memory_space<hbm>>
    %dma_wait3A_482 = arith.constant 1200 : i32
    %dma_wait3A_483 = arith.constant 0 : i32
    %dma_wait3A_484 = tpu.memref_slice %arg4[%dma_wait3A_474, %dma_wait3A_482, %dma_wait3A_483] : memref<4x1600x384xf32, #tpu.memory_space<vmem>> -> memref<1x400x384xf32, #tpu.memory_space<vmem>>
    %dma_wait3A_485 = tpu.memref_squeeze %dma_wait3A_484 : memref<1x400x384xf32, #tpu.memory_space<vmem>> -> memref<400x384xf32, #tpu.memory_space<vmem>>
    tpu.wait_dma2 semaphore(%dma_wait3A_478 : memref<!tpu.dma_semaphore, #tpu.memory_space<semaphore_mem>>) src(%dma_wait3A_485 : memref<400x384xf32, #tpu.memory_space<vmem>>) dst(%dma_wait3A_481 : memref<400x384xf32, #tpu.memory_space<hbm>>)
    return
  }
}

</mosaic_0001>

<sc_bundles>
// kernel: sparse-core-data-format-call.cloned.1.call-start
scs
called_computation_lowered:
.L_overlay_start_0:
0x0: {  	s2 =	sld [smem:$0x3FD9]  }
0x1: {  	s3 =	sld [smem:$0x3FFE];
	_ =	sdelay $0x1  }
0x2: {  	s1 =	srdreg.scid  }
0x3: {  	s0 =	sand.u32 $0x1, s1  }
0x4: {  	s18 =	sshll.u32 s0, $0xA;
	s2 =	sadd.s32 s3, s2  }
0x5: {  	s2 =	sadd.s32 s2, s18  }
0x6: {  	[smem:$0x3FC6] =	sst s2  }
0x7: {  	_ = 	snop  }
0x8: {  	s2 =	sld [smem:$0x3FD0];
	(tm) =	ssettm $0x1  }
0x9: {  	s19 =	sld [smem:$0x3FFB];
	_ =	sdelay $0x3  }
0xa: {  	_ =	strace s19  }
0xb: {  	s3 =	sld [smem:$0x3FFC];
	_ =	sdelay $0x3  }
0xc: {  	_ =	strace s3  }
0xd: {  	s3 =	sld [smem:$0x3FFD];
	_ =	sdelay $0x3  }
0xe: {  	_ =	strace s3  }
0xf: {  	_ =	strace $0x8FFFFFFF  }
0x10: {  	s20 =	sld [smem:$0x3FDB];
	_ =	sdelay $0x1  }
0x11: {  	s4 =	simm.s32 $_scs_section_size  }
0x12: {  	s5 =	simm.s32 $_size__tile_overlayer_lowered;
	s6 =	simm.s32 $_tile_overlayer_lowered  }
0x13: {  	s23 =	simm.s32 $0x1BFF;
	s22 =	sshll.u32 s6, $0x1;
	s3 =	sadd.s32 s4, s20  }
0x14: {  	s7 =	simm.s32 $0x0;
	s21 =	sshll.u32 s5, $0x1;
	s5 =	sadd.s32 s22, s3  }
0x15: {  	[timem:s7], [sflag:s23] =	dma.local [hbm:s5], s21  }
0x16: {  	_ =	swait.ge [sflag:s23], s21  }
0x17: {  	s4 =	ssub.s32 $0x0, s21;
	[sflag:s23] =	ssyncset.done $0x0  }
0x18: {  	[sflag:s23] =	ssyncadd.s32 s4;
	_ =	sdelay $0x1  }
0x19: {  	s24 =	simm.s32 $0x1B8B  }
0x1a: {  	_ =	swait.ge [sflag:s24], $0x1  }
0x1b: {  	[sflag:s24] =	ssyncset.done $0x0  }
0x1c: {  	s26 =	simm.s32 $0x1B8E;
	s25 =	sld [smem:$0x3FFE];
	[sflag:s24] =	ssyncadd.s32 $0xFFFFFFFF  }
0x1d: {  	s27 =	simm.s32 $execute0_lowered;
	[smem:$0x3FD2] =	sst s26  }
0x1e: {  	s5 =	sshll.u32 s27, $0x1;
	_ =	strace $0x80000046;
	[dreg:$0x1] =	wrdreg $0xFFFFFFFF  }
0x1f: {  	s28 =	simm.s32 $_size_execute0_lowered;
	s3 =	sadd.s32 s3, s5;
	[dreg:$0x0] =	wrdreg $0x0  }
0x20: {  	s5 =	sshll.u32 s28, $0x1;
	[dreg:$0x2] =	wrdreg s3  }
0x21: {  	[dreg:$0x3] =	wrdreg s5  }
0x22: {  	[dreg:$0x4] =	wrdreg $0xC0  }
0x23: {  	_ =	task [dreg:s7], $0x5FFFF  }
0x24: {  	[dreg:$0x1] =	wrdreg $0xFFFFFFFF  }
0x25: {  	[dreg:$0x0] =	wrdreg $0x60  }
0x26: {  	[dreg:$0x2] =	wrdreg s25  }
0x27: {  	[dreg:$0x3] =	wrdreg s2  }
0x28: {  	[dreg:$0x4] =	wrdreg $0x9  }
0x29: {  	_ =	task.clear_ibuf [dreg:s7], $0x5FFFF;
	_ =	strace $0x90000046  }
0x2a: {  	s29 =	simm.s32 $0x9;
	_ =	strace $0x80000048  }
0x2b: {  	_ =	swait.ge [sflag:s29], $0x1  }
0x2c: {  	[sflag:s29] =	ssyncadd.s32 $0xFFFFFFFF  }
0x2d: {  	_ =	strace $0x90000048  }
0x2e: {  	_ =	sfence  }
0x2f: {  	s30 =	sld [smem:$0x0];
	_ =	sdelay $0x2  }
0x30: {  	s31 =	sshll.u32 s1, $0xD;
	s1 =	sshrl.u32 s1, $0x2  }
0x31: {  	s3 =	sand.u32 $0x4000, s31;
	s1 =	sadd.s32 s1, s30  }
0x32: {  	s0 =	sor.u32 s3, s0;
	s1 =	sshll.u32 s1, $0x11  }
0x33: {  	s0 =	sor.u32 s1, s0  }
0x34: {  	s0 =	sadd.s32 $0x8F2B, s0  }
0x35: {  	[sflag:s0] =	ssyncadd.remote.s32 $0x1  }
0x36: {  	_ =	sfence.sel $0xFFFF  }
0x37: {  	[dreg:$0x0] =	wrdreg $0xFFFFFFFF;
	(pc) =	sbr.abs _section_cstart, $3  }
0x38: {  	[dreg:$0x1] =	wrdreg $0xFFFFFFFF  }
0x39: {  	_ =	task.clear_ibuf [dreg:s7], $0x2FFFF;
	_ =	strace $0x9FFFFFFF  }
0x3a: {  	(tm) =	ssettm $0x7FFFFFFF  }
0x3b: {  	_ =	shalt  }
tec
execute0_lowered:
.L_overlay_start_1:
0x0: {  	(tag) =	ssettag $0x1  }
0x1: {  	s0 =	srdreg.scid  }
0x2: {  	s1 =	sshll.u32 s0, $0x4  }
0x3: {  	s6 =	rddreg [dreg:$0x0];
	s0 =	stileid.u32;
	s1 =	sand.u32 $0x10, s1  }
0x4: {  	s3 =	rddreg [dreg:$0x1];
	s1 =	sor.u32 s0, s1  }
0x5: {  	s5 =	simm.s32 $0x1;
	s31 =	simm.s32 $0x2;
	s2 =	sshll.u32 s1, $0x7  }
0x6: {  	s15 =	simm.s32 $0x0;
	s8 =	simm.s32 $0x8000;
	s4 =	ssub.s32 $0x1000, s2  }
0x7: {  	s14 =	simm.s32 $0x0;
	s9 =	simm.s32 $0x0;
	s30 =	sand.u32 $0xF80, s4  }
0x8: {  	s10 =	simm.s32 $0x0;
	s11 =	simm.s32 $0x0;
	p0 =	sne.s32 s30, $0x0  }
.Ltmp0:
0x9: {  	s7 =	sshrl.u32 s4, $0xC;
	s5 =	simm.s32 @!p0 $0x0;
	(pc) =	sbr.rel .LBB1_1-.Ltmp0, $4  }
0xa: {  	s13 =	simm.s32 $0x0;
	s1 =	rddreg [dreg:$0x2];
	s5 =	sadd.s32 s5, s7  }
0xb: {  	_ =	strace $0x80000047;
	s4 =	simm.s32 $0x1;
	s5 =	smul.u32 $0xC8, s5  }
0xc: {  	s6 =	sadd.s32 $0x600, s6;
	s12 =	smov.u32 s2;
	[sflag:s4] =	ssyncpa.u1 $0x0  }
0xd: {  	[sflag:s31] =	ssyncpa.u1 $0x0;
	p0 =	por $0x0, $0x0;
	s7 =	sor.u32 $0x1, s5  }
.LBB1_4:
0xe: {  	s20 =	sshra.s32 s20, $0x2;
	s28 =	sshll.u32 s10, $0x3;
	p1 =	sgt.s32 s9, $0xC7  }
0xf: {  	s21 =	smov.u32 s9;
	s23 =	sshra.s32 s9, $0x1F;
	s24 =	smov.u32 s10  }
0x10: {  	v5 =	vld [tilespmem:s17+$0xFFFFFFD0];
	[tilespmem:s18+$0x2040 ss:$0x81] =	vst.msk $0xffff, v4;
	s25 =	sshra.s32 s10, $0x1F;
	s26 =	sand.u32 $0x78, s10;
	s19 =	sadd.s32 s20, s19  }
0x11: {  	v58 =	vld [tilespmem:s17+$0xFFFFFFE0];
	[tilespmem:s18+$0x2850 ss:$0x81] =	vst.msk $0xffff, v3;
	s22 =	sshrl.u32 s28, $0xC;
	s21 =	simm.s32 @!p1 $0xC7;
	s23 =	sand.u32 s23, s9  }
0x12: {  	v59 =	vld [tilespmem:s17+$0xFFFFFFF0];
	[tilespmem:s18+$0x3060 ss:$0x81] =	vst.msk $0xffff, v2;
	p1 =	sgt.s32 s10, $0xF80;
	s29 =	sand.u32 s25, s10;
	s20 =	sand.u32 $0xC00, s28  }
0x13: {  	v60 =	vld [tilespmem:s17+$0x0];
	[tilespmem:s18+$0x0 ss:$0x81] =	vst.msk $0xffff, v0;
	s28 =	smul.u32 $0xC000, s9;
	s21 =	ssub.s32 s21, s23;
	s24 =	simm.s32 @!p1 $0xF80  }
0x14: {  	v61 =	vld [tilespmem:s17+$0x10];
	s30 =	smulhi.u32 $0x2AAAAAB, s22;
	[tilespmem:s19+$0x3870 ss:$0x81] =	vst.msk $0xffff, v1;
	s20 =	sor.u32 s26, s20;
	s31 =	ssub.s32 $0xC8, s21  }
0x15: {  	v62 =	vld [tilespmem:s17+$0x20];
	s23 =	ssub.s32 s24, s29;
	s21 =	sadd.s32 $0xFFFFFF39, s21;
	s25 =	smul.u32 $0x60, s31;
	[tilespmem:s19+$0x810 ss:$0x81] =	vst.msk $0xffff, v5  }
0x16: {  	v63 =	vld [tilespmem:s17+$0xFFFFFFC0];
	s18 =	smul.u32 $0x60, s30;
	p1 =	sgt.s32 s21, $0x0;
	s27 =	sadd.s32 $0xFFFFF080, s23;
	[tilespmem:s19+$0x1020 ss:$0x81] =	vst.msk $0xffff, v58  }
0x17: {  	s17 =	ssub.s32 $0x1000, s23;
	[tilespmem:s19+$0x1830 ss:$0x81] =	vst.msk $0xffff, v59;
	s25 =	simm.s32 @p1 $0x0;
	p1 =	sgt.s32 s27, $0x7F  }
0x18: {  	s29 =	sand.u32 $0x7, s10;
	[tilespmem:s19+$0x2040 ss:$0x81] =	vst.msk $0xffff, v60;
	s18 =	ssub.s32 s22, s18;
	s17 =	simm.s32 @p1 $0x0  }
0x19: {  	s21 =	sadd.s32 s3, s28;
	[tilespmem:s19+$0x2850 ss:$0x81] =	vst.msk $0xffff, v61;
	s18 =	sshll.u32 s18, $0x9;
	s17 =	smul.u32 s17, s25  }
0x1a: {  	s20 =	sshrl.u32 s20, $0x3;
	s30 =	sshll.u32 s29, $0x12;
	[tilespmem:s19+$0x3060 ss:$0x81] =	vst.msk $0xffff, v62;
	s18 =	sadd.s32 s18, s21  }
0x1b: {  	[tilespmem:s19+$0x0 ss:$0x81] =	vst.msk $0xffff, v63;
	s31 =	sor.u32 $0x400, s30;
	s18 =	sadd.s32 s20, s18;
	s17 =	sand.u32 $0x3FFFFFE0, s17  }
0x1c: {  	[hbm4b:s18+s31] =	stream.strided.scatter [tilespmem:s16], [sflag:$0x2], s17, s8, s31, $0x20;
	[tilespmem:$0x10100] =	vst v63  }
.LBB1_5:
0x1d: {  	p1 =	slt.u32 s13, $0x2  }
0x1e: {  	s17 =	smov.u32 s15;
	p2 =	sgt.s32 @!p1 s15, $0xC7;
	s16 =	sshra.s32 @!p1 s15, $0x1F  }
0x1f: {  	p3 =	sgt.s32 @!p1 s14, $0xF80;
	s18 =	sshra.s32 @!p1 s14, $0x1F;
	p2 =	por !p2, p1  }
0x20: {  	s15 =	sand.u32 @!p1 s16, s15;
	p3 =	por !p3, p1;
	s16 =	smov.u32 s14  }
0x21: {  	s14 =	sand.u32 @!p1 s18, s14;
	s17 =	simm.s32 @p2 $0xC7;
	s16 =	simm.s32 @p3 $0xF80  }
0x22: {  	s18 =	smov.u32 s12;
	s15 =	ssub.s32 @!p1 s17, s15;
	s14 =	ssub.s32 @!p1 s16, s14  }
0x23: {  	s16 =	sadd.s32 @!p1 $0xFFFFFF39, s15;
	s15 =	ssub.s32 @!p1 $0xC8, s15;
	s17 =	sadd.s32 @!p1 $0xFFFFF080, s14  }
0x24: {  	p2 =	sgt.s32 @!p1 s16, $0x0;
	s15 =	smul.u32 @!p1 $0x60, s15;
	p3 =	sgt.s32 @!p1 s17, $0x7F  }
0x25: {  	s14 =	ssub.s32 @!p1 $0x1000, s14;
	p2 =	por !p2, p1;
	p3 =	por !p3, p1  }
0x26: {  	s16 =	sadd.s32 $0x1, s11;
	s15 =	simm.s32 @!p2 $0x0;
	s14 =	simm.s32 @!p3 $0x0  }
0x27: {  	p2 =	sgt.s32 s16, $0xC7;
	s14 =	smul.u32 @!p1 s14, s15;
	s15 =	sadd.s32 $0x1000, s12  }
0x28: {  	s18 =	smov.u32 @p2 s15  }
0x29: {  	s16 =	simm.s32 @p2 $0x0;
	p2 =	sgt.s32 s18, $0xFFF  }
0x2a: {  	s18 =	smov.u32 @p2 s2;
	p2 =	sne.s32 s13, s7  }
.Ltmp1:
0x2b: {  	p0 =	por !p0, !p0;
	s17 =	simm.s32 @!p1 $0x2;
	(pc) =	sbr.rel @!p2 .LBB1_6-.Ltmp1, $4  }
0x2c: {  	s15 =	smov.u32 s9;
	s9 =	smov.u32 s11;
	s14 =	sand.u32 @!p1 $0x3FFFFFE0, s14  }
0x2d: {  	s11 =	smov.u32 s16;
	_ =	swait.ge @!p1 [sflag:s17], s14;
	s19 =	ssub.s32 @!p1 $0x0, s14  }
0x2e: {  	s14 =	smov.u32 s10;
	s13 =	sadd.s32 $0x1, s13;
	[sflag:s17] =	ssyncset.done @!p1 $0x0  }
0x2f: {  	s10 =	smov.u32 s12;
	s12 =	smov.u32 s18;
	[sflag:s17] =	ssyncadd.s32 @!p1 s19  }
.LBB1_1:
0x30: {  	p1 =	sge.u32 s13, s5  }
0x31: {  	s16 =	sand.u32 @!p1 $0x1FFFFFF, s11  }
0x32: {  	s17 =	smulhi.u32 @!p1 $0x147AE15, s16;
	_ =	sdelay $0x1  }
0x33: {  	s17 =	smul.u32 @!p1 $0xC8, s17  }
0x34: {  	s18 =	sxor.u32 @!p1 $0xFFFFFFFF, s13;
	s19 =	smul.u32 @!p1 $0xC80, s12  }
0x35: {  	s31 =	sadd.s32 $0xFFFFFFFF, s13;
	s18 =	sshll.u32 @!p1 s18, $0xE;
	s16 =	ssub.s32 @!p1 s16, s17  }
0x36: {  	s17 =	sand.u32 @!p1 $0x4000, s18;
	s18 =	sadd.s32 @!p1 s6, s19;
	s16 =	sshll.u32 @!p1 s16, $0x4  }
0x37: {  	s19 =	simm.s32 @!p1 $0x6400;
	s16 =	sadd.s32 @!p1 s16, s18;
	s18 =	simm.s32 @!p1 $0x80  }
0x38: {  	[tilespmem:s17], [sflag:$0x1] =	stream.strided.gather @!p1 [hbm4b:s16+s18], $0x4000, s19, s18, $0x38;
	[tilespmem:$0x10100] =	vst v63  }
0x39: {  	p1 =	sge.u32 s31, s5  }
.Ltmp2:
0x3a: {  	_ = 	snop;
	(pc) =	sbr.rel @p1 .LBB1_5-.Ltmp2, $1  }
0x3b: {  	_ =	sdelay $0x3  }
0x3c: {  	s16 =	simm.s32 $0x1  }
0x3d: {  	_ =	swait.ge [sflag:s4], $0x4000;
	s16 =	simm.s32 @!p0 $0x0  }
0x3e: {  	[sflag:s4] =	ssyncset.done $0x0;
	s17 =	sshll.u32 s16, $0xE  }
0x3f: {  	[sflag:s4] =	ssyncadd.s32 $0xFFFFC000;
	s17 =	sor.u32 $0x40, s17  }
0x40: {  	s16 =	smul.u32 $0x10200, s16;
	v0 =	vld [tilespmem:s17+$0x30]  }
0x41: {  	v1 =	vld [tilespmem:s17+$0xFFFFFFD0]  }
0x42: {  	s16 =	sshrl.u32 s16, $0x2;
	v5 =	vld [tilespmem:s17+$0xFFFFFFE0]  }
0x43: {  	v6 =	vld [tilespmem:s17+$0xFFFFFFF0];
	s19 =	sor.u32 $0x8000, s16  }
0x44: {  	s31 =	sand.u32 $0x1, s13;
	v4 =	vld [tilespmem:s17+$0x0];
	s18 =	sadd.s32 $0x0, s19  }
0x45: {  	v3 =	vld [tilespmem:s17+$0x10];
	s16 =	smul.u32 $0x10200, s31;
	[tilespmem:s18+$0x3870 ss:$0x81] =	vst.msk $0xffff, v0  }
0x46: {  	v2 =	vld [tilespmem:s17+$0x20];
	[tilespmem:s18+$0x810 ss:$0x81] =	vst.msk $0xffff, v1  }
0x47: {  	s16 =	sshrl.u32 s16, $0x2;
	v0 =	vld [tilespmem:s17+$0xFFFFFFC0];
	[tilespmem:s18+$0x1020 ss:$0x81] =	vst.msk $0xffff, v5;
	s17 =	sadd.s32 $0x80, s17  }
0x48: {  	s20 =	simm.s32 $0x4;
	s21 =	simm.s32 $0x8;
	s16 =	sor.u32 $0x8000, s16;
	[tilespmem:s18+$0x1830 ss:$0x81] =	vst.msk $0xffff, v6;
	v1 =	vld [tilespmem:s17+$0x30]  }
.LBB1_3:
0x49: {  	p1 =	sne.s32 s21, $0x1FC;
	v5 =	vld [tilespmem:s17+$0xFFFFFFD0];
	[tilespmem:s18+$0x2040 ss:$0x81] =	vst.msk $0xffff, v4  }
0x4a: {  	v6 =	vld [tilespmem:s17+$0xFFFFFFE0];
	[tilespmem:s18+$0x2850 ss:$0x81] =	vst.msk $0xffff, v3  }
0x4b: {  	s22 =	sshra.s32 s20, $0x2;
	s20 =	smov.u32 s21;
	v7 =	vld [tilespmem:s17+$0xFFFFFFF0];
	[tilespmem:s18+$0x3060 ss:$0x81] =	vst.msk $0xffff, v2  }
.Ltmp3:
0x4c: {  	v4 =	vld [tilespmem:s17+$0x0];
	[tilespmem:s18+$0x0 ss:$0x81] =	vst.msk $0xffff, v0;
	s18 =	sadd.s32 s22, s19;
	(pc) =	sbr.rel @p1 .LBB1_3-.Ltmp3, $4  }
0x4d: {  	v3 =	vld [tilespmem:s17+$0x10];
	[tilespmem:s18+$0x3870 ss:$0x81] =	vst.msk $0xffff, v1  }
0x4e: {  	[tilespmem:s18+$0x810 ss:$0x81] =	vst.msk $0xffff, v5;
	v2 =	vld [tilespmem:s17+$0x20]  }
0x4f: {  	v0 =	vld [tilespmem:s17+$0xFFFFFFC0];
	[tilespmem:s18+$0x1020 ss:$0x81] =	vst.msk $0xffff, v6;
	s17 =	sadd.s32 $0x80, s17  }
0x50: {  	s21 =	sadd.s32 $0x4, s21;
	v1 =	vld [tilespmem:s17+$0x30];
	[tilespmem:s18+$0x1830 ss:$0x81] =	vst.msk $0xffff, v7  }
.Ltmp4:
0x51: {  	_ = 	snop;
	(pc) =	sbr.rel .LBB1_4-.Ltmp4, $1  }
0x52: {  	_ =	sdelay $0x3  }
.LBB1_6:
0x53: {  	_ =	sfence.sel $0x180000  }
0x54: {  	s2 =	simm.s32 $0x1;
	[bflag:$0x0] =	sbarrier.arrive $0xFFFF  }
0x55: {  	s31 =	simm.s32 $0x2;
	[sflag:s2] =	ssyncpa.u1 $0x1  }
0x56: {  	[sflag:s31] =	ssyncpa.u1 $0x1  }
0x57: {  	p0 =	sne.s32 s0, $0x0;
	_ =	strace $0x90000047  }
0x58: {  	s0 =	sadd.s32 @!p0 $0x100000, s1;
	[bflag:$0x2] =	sbarrier.arrive $0xFFFF  }
0x59: {  	[sflag:s0] =	ssyncadd.tile.s32 @!p0 $0x1;
	_ =	shalt  }
.Lfunc_end1:
_tile_overlayer_lowered:
.L_overlay_start_2:
0x5a: {  	(tag) =	ssettag $0x2  }
0x5b: {  	s0 =	rddreg [dreg:$0x0];
	s2 =	stileid.u32  }
0x5c: {  	s1 =	rddreg [dreg:$0x1];
	p0 =	sne.s32 s2, $0x0  }
0x5d: {  	s3 =	rddreg [dreg:$0x2];
	[bflag:$0x3] =	sbarrier.arrive $0xFFFF;
	s2 =	simm.s32 @!p0 $0x1C01  }
0x5e: {  	[timem:s3], [sflag:s2] =	dma.local @!p0 [hbm:s0], s1  }
0x5f: {  	s0 =	simm.s32 @!p0 $0x1  }
0x60: {  	_ =	swait.ge @!p0 [sflag:s0], s1  }
0x61: {  	s1 =	ssub.s32 @!p0 $0x0, s1;
	[sflag:s0] =	ssyncset.done @!p0 $0x0  }
0x62: {  	[sflag:s0] =	ssyncadd.s32 @!p0 s1  }
0x63: {  	[bflag:$0x3] =	sbarrier.arrive $0xFFFF  }
0x64: {  	_ =	shalt  }

</sc_bundles>
